<compile_context>
chip_gen: v7x
topology: tpu7x:2x2x1
jax: 0.10.2.dev20260603
libtpu: 0.0.44.dev20260713+nightly
codegen_flags: <defaults>
</compile_context>

<pallas_src>
import jax
import jax.numpy as jnp
from jax import lax
from jax.experimental import pallas as pl
from jax.experimental.pallas import tpu as pltpu
from jax.experimental.pallas import tpu_sc as plsc

D = 4096
BATCH = 128
NC, NS = 2, 16
NW = NC * NS
ROWS_W = D // NW
HALF = ROWS_W // 2
LANES = 16

_INV_2PI = 0.15915493667125702
_C1 = 6.28125
_C2 = 1.9353071795864769e-3
_PI = 3.14159265358979
_PI_2 = 1.5707963267948966


def _sincos16(a):
    t = a * _INV_2PI
    t = t + jnp.where(t >= 0.0, 0.5, -0.5)
    kf = t.astype(jnp.int32).astype(jnp.float32)
    r = a - kf * _C1
    r = r - kf * _C2
    flip = jnp.abs(r) > _PI_2
    half_turn = jnp.where(r >= 0.0, _PI, -_PI)
    rf = jnp.where(flip, half_turn - r, r)
    r2 = rf * rf
    s = rf * (1.0 + r2 * (-1.0 / 6.0 + r2 * (1.0 / 120.0 + r2 * (
        -1.0 / 5040.0 + r2 * (1.0 / 362880.0 + r2 * (-1.0 / 39916800.0))))))
    c = 1.0 + r2 * (-0.5 + r2 * (1.0 / 24.0 + r2 * (-1.0 / 720.0 + r2 * (
        1.0 / 40320.0 + r2 * (-1.0 / 3628800.0 + r2 * (1.0 / 479001600.0))))))
    c = jnp.where(flip, -c, c)
    return s, c


def _crz_body(x_hbm, ang_hbm, re_hbm, im_hbm,
              x_v, re_v, im_v, ang_v, s_ang, s_in, s_out):
    w = lax.axis_index("s") * NC + lax.axis_index("c")
    base = w * ROWS_W

    ca = pltpu.async_copy(ang_hbm, ang_v, s_ang)
    c0 = pltpu.async_copy(x_hbm.at[pl.ds(base, HALF)],
                          x_v.at[pl.ds(0, HALF)], s_in)
    c1 = pltpu.async_copy(x_hbm.at[pl.ds(base + HALF, HALF)],
                          x_v.at[pl.ds(HALF, HALF)], s_in)

    ca.wait()
    sinv, cosv = _sincos16(ang_v[...] * 0.5)
    m_low = lax.convert_element_type(w < 16, jnp.float32)
    m_mid = lax.convert_element_type(w < 24, jnp.float32)
    cvec = m_low + (1.0 - m_low) * cosv
    svec = ((1.0 - m_low) * (1.0 - 2.0 * m_mid)) * sinv

    def body(r, carry):
        for u in range(BATCH // LANES):
            sl = pl.ds(u * LANES, LANES)
            v = x_v[r, sl]
            re_v[r, sl] = v * cvec
            im_v[r, sl] = v * svec
        return carry

    c0.wait()
    lax.fori_loop(0, HALF, body, 0)
    o0r = pltpu.async_copy(re_v.at[pl.ds(0, HALF)],
                           re_hbm.at[pl.ds(base, HALF)], s_out)
    o0i = pltpu.async_copy(im_v.at[pl.ds(0, HALF)],
                           im_hbm.at[pl.ds(base, HALF)], s_out)
    c1.wait()
    lax.fori_loop(HALF, ROWS_W, body, 0)
    o1r = pltpu.async_copy(re_v.at[pl.ds(HALF, HALF)],
                           re_hbm.at[pl.ds(base + HALF, HALF)], s_out)
    o1i = pltpu.async_copy(im_v.at[pl.ds(HALF, HALF)],
                           im_hbm.at[pl.ds(base + HALF, HALF)], s_out)
    o0r.wait()
    o0i.wait()
    o1r.wait()
    o1i.wait()


def _build_crz_sc():
    mesh = plsc.VectorSubcoreMesh(
        core_axis_name="c", subcore_axis_name="s",
        num_cores=NC, num_subcores=NS)
    return pl.kernel(
        _crz_body,
        out_type=(
            jax.ShapeDtypeStruct((D, BATCH), jnp.float32),
            jax.ShapeDtypeStruct((D, BATCH), jnp.float32),
        ),
        mesh=mesh,
        scratch_types=[
            pltpu.VMEM((ROWS_W, BATCH), jnp.float32),
            pltpu.VMEM((ROWS_W, BATCH), jnp.float32),
            pltpu.VMEM((ROWS_W, BATCH), jnp.float32),
            pltpu.VMEM((LANES,), jnp.float32),
            pltpu.SemaphoreType.DMA,
            pltpu.SemaphoreType.DMA,
            pltpu.SemaphoreType.DMA,
        ],
    )


def kernel(x, angle):
    ang16 = jnp.broadcast_to(angle.astype(jnp.float32), (LANES,))
    re, im = _build_crz_sc()(x, ang16)
    return lax.complex(re, im)

# --- scband reference (transcript-rebuilt; emitter-appended) ---
"""Pipeline reference for scband-crz-50259707298077 (READ-ONLY COPY).

The authoritative reference and input builder live on the scoring server;
editing this copy changes nothing except your own understanding.
"""

import jax, jax.numpy as jnp
import numpy as np

DIM = 2
WIRES = 12
J = 1
C = 0
T = 1
D = DIM ** WIRES
BATCH = 128


def setup_inputs(seed: int = 0) -> dict:
    key = jax.random.key(seed)
    k1, k2 = jax.random.split(key)
    x = jax.random.normal(k1, (D, BATCH), dtype=jnp.float32)
    angle = np.pi * jax.random.normal(k2, (1,), dtype=jnp.float32)
    return {"x": x, "angle": angle}


def _crz_matvec(x, angle):
    dim, wires, j, c, t = DIM, WIRES, J, C, T
    Dfull = dim ** wires
    Dl = Dfull // dim
    m = jnp.arange(Dl)
    # dec2den: digits of m in base `dim`, (wires-1) digits, MSB first
    pos = jnp.arange(wires - 1)
    powers = jnp.power(dim, (wires - 2) - pos)
    digits = (m[:, None] // powers[None, :]) % dim
    # control digit (wires==2 special case collapses to local[0]; here wires>2 uses index c)
    loc = digits[:, c] if wires > 2 else digits[:, 0]
    theta = angle[0]
    scale = jnp.sqrt(jnp.asarray(2.0 / (j * (j + 1)), dtype=jnp.float32))
    ang = loc.astype(jnp.float32) * theta / 2.0 * scale
    # den2dec after inserting digit k at position t
    split = dim ** (wires - 1 - t)
    hi = m // split
    lo = m % split
    rows_list = []
    vals_list = []
    for k in range(dim):
        intk = hi * (dim ** (wires - t)) + k * split + lo
        if k < j:
            v = jnp.cos(ang) - 1j * jnp.sin(ang)
        elif k == j:
            a2 = j * ang
            v = jnp.cos(a2) + 1j * jnp.sin(a2)
        else:
            v = jnp.ones((Dl,), dtype=jnp.complex64)
        rows_list.append(intk)
        vals_list.append(v.astype(jnp.complex64))
    rows = jnp.concatenate(rows_list)
    vals = jnp.concatenate(vals_list)
    # dense U with index_put_ (overwrite) semantics, then U @ x
    U = jnp.zeros((Dfull, Dfull), dtype=jnp.complex64)
    U = U.at[rows, rows].set(vals)
    return U @ x.astype(jnp.complex64)


def reference(x, angle):
    return _crz_matvec(x, angle)

if __name__ == "__main__":
    import jax
    _d = setup_inputs()
    print(jax.jit(kernel)(*tuple(_d.values())))

</pallas_src>

<mosaic_0001>
#map = affine_map<(d0, d1) -> (0, 0)>
#map1 = affine_map<(d0, d1) -> (0)>
module attributes {stable_mosaic.version = 14 : i64} {
  func.func @_crz_body(%arg0: i32, %arg1: i32, %arg2: memref<4096x128xf32, #tpu.memory_space<hbm>>, %arg3: memref<16xf32, #tpu.memory_space<hbm>>, %arg4: memref<4096x128xf32, #tpu.memory_space<hbm>>, %arg5: memref<4096x128xf32, #tpu.memory_space<hbm>>, %arg6: memref<128x128xf32, #tpu.memory_space<vmem>>, %arg7: memref<128x128xf32, #tpu.memory_space<vmem>>, %arg8: memref<128x128xf32, #tpu.memory_space<vmem>>, %arg9: memref<16xf32, #tpu.memory_space<vmem>>, %arg10: memref<!tpu.dma_semaphore, #tpu.memory_space<semaphore_mem>>, %arg11: memref<!tpu.dma_semaphore, #tpu.memory_space<semaphore_mem>>, %arg12: memref<!tpu.dma_semaphore, #tpu.memory_space<semaphore_mem>>) attributes {dimension_semantics = [#tpu.dimension_semantics<core_parallel>, #tpu.dimension_semantics<subcore_parallel>], iteration_bounds = array<i64: 2, 16>, scalar_prefetch = 0 : i64, scratch_operands = 7 : i64, tpu.core_type = #tpu.core_type<sc_vector_subcore>, window_params = [{transform_indices = #map}, {transform_indices = #map1}, {transform_indices = #map}, {transform_indices = #map}]} {
    %mul3A = arith.constant 2 : i32
    %mul3A_0 = arith.muli %arg1, %mul3A : i32
    %add3A = arith.addi %mul3A_0, %arg0 : i32
    %mul3A_1 = arith.constant 128 : i32
    %mul3A_2 = arith.muli %add3A, %mul3A_1 : i32
    tpu.enqueue_dma source(%arg3 : memref<16xf32, #tpu.memory_space<hbm>>) target(%arg9 : memref<16xf32, #tpu.memory_space<vmem>>) target_semaphore(%arg10 : memref<!tpu.dma_semaphore, #tpu.memory_space<semaphore_mem>>)
    %dma_start3A = arith.constant 0 : i32
    %dma_start3A_3 = arith.constant 0 : i32
    %dma_start3A_4 = tpu.memref_slice %arg6[%dma_start3A, %dma_start3A_3] : memref<128x128xf32, #tpu.memory_space<vmem>> -> memref<64x128xf32, #tpu.memory_space<vmem>>
    %dma_start3A_5 = arith.constant 0 : i32
    %dma_start3A_6 = tpu.memref_slice %arg2[%mul3A_2, %dma_start3A_5] : memref<4096x128xf32, #tpu.memory_space<hbm>> -> memref<64x128xf32, #tpu.memory_space<hbm>>
    %dma_start3A_7 = arith.constant 0 : i32
    %dma_start3A_8 = arith.constant 0 : i32
    %dma_start3A_9 = tpu.memref_slice %arg6[%dma_start3A_7, %dma_start3A_8] : memref<128x128xf32, #tpu.memory_space<vmem>> -> memref<64x128xf32, #tpu.memory_space<vmem>>
    %dma_start3A_10 = arith.constant 0 : i32
    %dma_start3A_11 = tpu.memref_slice %arg2[%mul3A_2, %dma_start3A_10] : memref<4096x128xf32, #tpu.memory_space<hbm>> -> memref<64x128xf32, #tpu.memory_space<hbm>>
    tpu.enqueue_dma source(%dma_start3A_11 : memref<64x128xf32, #tpu.memory_space<hbm>>) target(%dma_start3A_9 : memref<64x128xf32, #tpu.memory_space<vmem>>) target_semaphore(%arg11 : memref<!tpu.dma_semaphore, #tpu.memory_space<semaphore_mem>>)
    %add3A_12 = arith.constant 64 : i32
    %add3A_13 = arith.addi %mul3A_2, %add3A_12 : i32
    %dma_start3A_14 = arith.constant 64 : i32
    %dma_start3A_15 = arith.constant 0 : i32
    %dma_start3A_16 = tpu.memref_slice %arg6[%dma_start3A_14, %dma_start3A_15] : memref<128x128xf32, #tpu.memory_space<vmem>> -> memref<64x128xf32, #tpu.memory_space<vmem>>
    %dma_start3A_17 = arith.constant 0 : i32
    %dma_start3A_18 = tpu.memref_slice %arg2[%add3A_13, %dma_start3A_17] : memref<4096x128xf32, #tpu.memory_space<hbm>> -> memref<64x128xf32, #tpu.memory_space<hbm>>
    %dma_start3A_19 = arith.constant 64 : i32
    %dma_start3A_20 = arith.constant 0 : i32
    %dma_start3A_21 = tpu.memref_slice %arg6[%dma_start3A_19, %dma_start3A_20] : memref<128x128xf32, #tpu.memory_space<vmem>> -> memref<64x128xf32, #tpu.memory_space<vmem>>
    %dma_start3A_22 = arith.constant 0 : i32
    %dma_start3A_23 = tpu.memref_slice %arg2[%add3A_13, %dma_start3A_22] : memref<4096x128xf32, #tpu.memory_space<hbm>> -> memref<64x128xf32, #tpu.memory_space<hbm>>
    tpu.enqueue_dma source(%dma_start3A_23 : memref<64x128xf32, #tpu.memory_space<hbm>>) target(%dma_start3A_21 : memref<64x128xf32, #tpu.memory_space<vmem>>) target_semaphore(%arg11 : memref<!tpu.dma_semaphore, #tpu.memory_space<semaphore_mem>>)
    tpu.wait_dma2 semaphore(%arg10 : memref<!tpu.dma_semaphore, #tpu.memory_space<semaphore_mem>>) src(%arg3 : memref<16xf32, #tpu.memory_space<hbm>>) dst(%arg9 : memref<16xf32, #tpu.memory_space<vmem>>)
    %get3A = arith.constant 0 : index
    %get3A_24 = tpu.vector_load %arg9[%get3A] {strides = array<i32>} : memref<16xf32, #tpu.memory_space<vmem>>, vector<16xf32>,
    %get3A_25 = vector.shape_cast %get3A_24 : vector<16xf32> to vector<16xf32>
    %mul3A_26 = arith.constant 5.000000e-01 : f32
    %mul3A_27 = vector.broadcast %mul3A_26 : f32 to vector<16xf32>
    %mul3A_28 = arith.mulf %get3A_25, %mul3A_27 : vector<16xf32>
    %mul3A_29 = arith.constant 0.159154937 : f32
    %mul3A_30 = vector.broadcast %mul3A_29 : f32 to vector<16xf32>
    %mul3A_31 = arith.mulf %mul3A_28, %mul3A_30 : vector<16xf32>
    %ge3A = arith.constant 0.000000e+00 : f32
    %ge3A_32 = vector.broadcast %ge3A : f32 to vector<16xf32>
    %ge3A_33 = arith.cmpf oge, %mul3A_31, %ge3A_32 : vector<16xf32>
    %jit3A = arith.constant 5.000000e-01 : f32
    %jit3A_34 = arith.constant -5.000000e-01 : f32
    %broadcast_in_dim3A = vector.broadcast %jit3A : f32 to vector<16xf32>
    %broadcast_in_dim3A_35 = vector.broadcast %jit3A_34 : f32 to vector<16xf32>
    %select_n3A = arith.select %ge3A_33, %broadcast_in_dim3A, %broadcast_in_dim3A_35 : vector<16xi1>, vector<16xf32>
    %add3A_36 = arith.addf %mul3A_31, %select_n3A : vector<16xf32>
    %convert_element_type3A = arith.fptosi %add3A_36 : vector<16xf32> to vector<16xi32>
    %convert_element_type3A_37 = arith.sitofp %convert_element_type3A : vector<16xi32> to vector<16xf32>
    %mul3A_38 = arith.constant 6.281250e+00 : f32
    %mul3A_39 = vector.broadcast %mul3A_38 : f32 to vector<16xf32>
    %mul3A_40 = arith.mulf %convert_element_type3A_37, %mul3A_39 : vector<16xf32>
    %sub3A = arith.subf %mul3A_28, %mul3A_40 : vector<16xf32>
    %mul3A_41 = arith.constant 0.00193530717 : f32
    %mul3A_42 = vector.broadcast %mul3A_41 : f32 to vector<16xf32>
    %mul3A_43 = arith.mulf %convert_element_type3A_37, %mul3A_42 : vector<16xf32>
    %sub3A_44 = arith.subf %sub3A, %mul3A_43 : vector<16xf32>
    %abs3A = math.absf %sub3A_44 : vector<16xf32>
    %gt3A = arith.constant 1.57079637 : f32
    %gt3A_45 = vector.broadcast %gt3A : f32 to vector<16xf32>
    %gt3A_46 = arith.cmpf ogt, %abs3A, %gt3A_45 : vector<16xf32>
    %ge3A_47 = arith.constant 0.000000e+00 : f32
    %ge3A_48 = vector.broadcast %ge3A_47 : f32 to vector<16xf32>
    %ge3A_49 = arith.cmpf oge, %sub3A_44, %ge3A_48 : vector<16xf32>
    %jit3A_50 = arith.constant 3.14159274 : f32
    %jit3A_51 = arith.constant -3.14159274 : f32
    %broadcast_in_dim3A_52 = vector.broadcast %jit3A_50 : f32 to vector<16xf32>
    %broadcast_in_dim3A_53 = vector.broadcast %jit3A_51 : f32 to vector<16xf32>
    %select_n3A_54 = arith.select %ge3A_49, %broadcast_in_dim3A_52, %broadcast_in_dim3A_53 : vector<16xi1>, vector<16xf32>
    %sub3A_55 = arith.subf %select_n3A_54, %sub3A_44 : vector<16xf32>
    %select_n3A_56 = arith.select %gt3A_46, %sub3A_55, %sub3A_44 : vector<16xi1>, vector<16xf32>
    %mul3A_57 = arith.mulf %select_n3A_56, %select_n3A_56 : vector<16xf32>
    %mul3A_58 = arith.constant -2.50521079E-8 : f32
    %mul3A_59 = vector.broadcast %mul3A_58 : f32 to vector<16xf32>
    %mul3A_60 = arith.mulf %mul3A_57, %mul3A_59 : vector<16xf32>
    %add3A_61 = arith.constant 2.75573188E-6 : f32
    %add3A_62 = vector.broadcast %add3A_61 : f32 to vector<16xf32>
    %add3A_63 = arith.addf %add3A_62, %mul3A_60 : vector<16xf32>
    %mul3A_64 = arith.mulf %mul3A_57, %add3A_63 : vector<16xf32>
    %add3A_65 = arith.constant -1.98412701E-4 : f32
    %add3A_66 = vector.broadcast %add3A_65 : f32 to vector<16xf32>
    %add3A_67 = arith.addf %add3A_66, %mul3A_64 : vector<16xf32>
    %mul3A_68 = arith.mulf %mul3A_57, %add3A_67 : vector<16xf32>
    %add3A_69 = arith.constant 0.00833333377 : f32
    %add3A_70 = vector.broadcast %add3A_69 : f32 to vector<16xf32>
    %add3A_71 = arith.addf %add3A_70, %mul3A_68 : vector<16xf32>
    %mul3A_72 = arith.mulf %mul3A_57, %add3A_71 : vector<16xf32>
    %add3A_73 = arith.constant -0.166666672 : f32
    %add3A_74 = vector.broadcast %add3A_73 : f32 to vector<16xf32>
    %add3A_75 = arith.addf %add3A_74, %mul3A_72 : vector<16xf32>
    %mul3A_76 = arith.mulf %mul3A_57, %add3A_75 : vector<16xf32>
    %add3A_77 = arith.constant 1.000000e+00 : f32
    %add3A_78 = vector.broadcast %add3A_77 : f32 to vector<16xf32>
    %add3A_79 = arith.addf %add3A_78, %mul3A_76 : vector<16xf32>
    %mul3A_80 = arith.mulf %select_n3A_56, %add3A_79 : vector<16xf32>
    %mul3A_81 = arith.constant 2.08767559E-9 : f32
    %mul3A_82 = vector.broadcast %mul3A_81 : f32 to vector<16xf32>
    %mul3A_83 = arith.mulf %mul3A_57, %mul3A_82 : vector<16xf32>
    %add3A_84 = arith.constant -2.755732E-7 : f32
    %add3A_85 = vector.broadcast %add3A_84 : f32 to vector<16xf32>
    %add3A_86 = arith.addf %add3A_85, %mul3A_83 : vector<16xf32>
    %mul3A_87 = arith.mulf %mul3A_57, %add3A_86 : vector<16xf32>
    %add3A_88 = arith.constant 2.48015876E-5 : f32
    %add3A_89 = vector.broadcast %add3A_88 : f32 to vector<16xf32>
    %add3A_90 = arith.addf %add3A_89, %mul3A_87 : vector<16xf32>
    %mul3A_91 = arith.mulf %mul3A_57, %add3A_90 : vector<16xf32>
    %add3A_92 = arith.constant -0.00138888892 : f32
    %add3A_93 = vector.broadcast %add3A_92 : f32 to vector<16xf32>
    %add3A_94 = arith.addf %add3A_93, %mul3A_91 : vector<16xf32>
    %mul3A_95 = arith.mulf %mul3A_57, %add3A_94 : vector<16xf32>
    %add3A_96 = arith.constant 0.0416666679 : f32
    %add3A_97 = vector.broadcast %add3A_96 : f32 to vector<16xf32>
    %add3A_98 = arith.addf %add3A_97, %mul3A_95 : vector<16xf32>
    %mul3A_99 = arith.mulf %mul3A_57, %add3A_98 : vector<16xf32>
    %add3A_100 = arith.constant -5.000000e-01 : f32
    %add3A_101 = vector.broadcast %add3A_100 : f32 to vector<16xf32>
    %add3A_102 = arith.addf %add3A_101, %mul3A_99 : vector<16xf32>
    %mul3A_103 = arith.mulf %mul3A_57, %add3A_102 : vector<16xf32>
    %add3A_104 = arith.constant 1.000000e+00 : f32
    %add3A_105 = vector.broadcast %add3A_104 : f32 to vector<16xf32>
    %add3A_106 = arith.addf %add3A_105, %mul3A_103 : vector<16xf32>
    %neg3A = arith.constant 0.000000e+00 : f32
    %neg3A_107 = vector.broadcast %neg3A : f32 to vector<16xf32>
    %neg3A_108 = arith.subf %neg3A_107, %add3A_106 : vector<16xf32>
    %select_n3A_109 = arith.select %gt3A_46, %neg3A_108, %add3A_106 : vector<16xi1>, vector<16xf32>
    %lt3A = arith.constant 16 : i32
    %lt3A_110 = arith.cmpi slt, %add3A, %lt3A : i32
    %convert_element_type3A_111 = arith.extui %lt3A_110 : i1 to i32
    %convert_element_type3A_112 = arith.sitofp %convert_element_type3A_111 : i32 to f32
    %lt3A_113 = arith.constant 24 : i32
    %lt3A_114 = arith.cmpi slt, %add3A, %lt3A_113 : i32
    %convert_element_type3A_115 = arith.extui %lt3A_114 : i1 to i32
    %convert_element_type3A_116 = arith.sitofp %convert_element_type3A_115 : i32 to f32
    %sub3A_117 = arith.constant 1.000000e+00 : f32
    %sub3A_118 = arith.subf %sub3A_117, %convert_element_type3A_112 : f32
    %mul3A_119 = vector.broadcast %sub3A_118 : f32 to vector<16xf32>
    %mul3A_120 = arith.mulf %mul3A_119, %select_n3A_109 : vector<16xf32>
    %add3A_121 = vector.broadcast %convert_element_type3A_112 : f32 to vector<16xf32>
    %add3A_122 = arith.addf %add3A_121, %mul3A_120 : vector<16xf32>
    %sub3A_123 = arith.constant 1.000000e+00 : f32
    %sub3A_124 = arith.subf %sub3A_123, %convert_element_type3A_112 : f32
    %mul3A_125 = arith.constant 2.000000e+00 : f32
    %mul3A_126 = arith.mulf %mul3A_125, %convert_element_type3A_116 : f32
    %sub3A_127 = arith.constant 1.000000e+00 : f32
    %sub3A_128 = arith.subf %sub3A_127, %mul3A_126 : f32
    %mul3A_129 = arith.mulf %sub3A_124, %sub3A_128 : f32
    %mul3A_130 = vector.broadcast %mul3A_129 : f32 to vector<16xf32>
    %mul3A_131 = arith.mulf %mul3A_130, %mul3A_80 : vector<16xf32>
    %dma_wait3A = arith.constant 0 : i32
    %dma_wait3A_132 = arith.constant 0 : i32
    %dma_wait3A_133 = tpu.memref_slice %arg6[%dma_wait3A, %dma_wait3A_132] : memref<128x128xf32, #tpu.memory_space<vmem>> -> memref<64x128xf32, #tpu.memory_space<vmem>>
    %dma_wait3A_134 = arith.constant 0 : i32
    %dma_wait3A_135 = tpu.memref_slice %arg2[%mul3A_2, %dma_wait3A_134] : memref<4096x128xf32, #tpu.memory_space<hbm>> -> memref<64x128xf32, #tpu.memory_space<hbm>>
    %dma_wait3A_136 = arith.constant 0 : i32
    %dma_wait3A_137 = arith.constant 0 : i32
    %dma_wait3A_138 = tpu.memref_slice %arg6[%dma_wait3A_136, %dma_wait3A_137] : memref<128x128xf32, #tpu.memory_space<vmem>> -> memref<64x128xf32, #tpu.memory_space<vmem>>
    %dma_wait3A_139 = arith.constant 0 : i32
    %dma_wait3A_140 = tpu.memref_slice %arg2[%mul3A_2, %dma_wait3A_139] : memref<4096x128xf32, #tpu.memory_space<hbm>> -> memref<64x128xf32, #tpu.memory_space<hbm>>
    tpu.wait_dma2 semaphore(%arg11 : memref<!tpu.dma_semaphore, #tpu.memory_space<semaphore_mem>>) src(%dma_wait3A_140 : memref<64x128xf32, #tpu.memory_space<hbm>>) dst(%dma_wait3A_138 : memref<64x128xf32, #tpu.memory_space<vmem>>)
    %scan3A = arith.constant 0 : i32
    %scan3A_141 = arith.constant 0 : i32
    %scan3A_142 = arith.constant 64 : i32
    %scan3A_143 = arith.addi %scan3A_141, %scan3A_142 : i32
    %scan3A_144 = arith.constant 1 : i32
    scf.for %scan3A_246 = %scan3A_141 to %scan3A_143 step %scan3A_144  : i32 {
      %get3A_247 = arith.index_cast %scan3A_246 : i32 to index
      %get3A_248 = arith.constant 0 : index
      %get3A_249 = tpu.vector_load %arg6[%get3A_247, %get3A_248] {strides = array<i32>} : memref<128x128xf32, #tpu.memory_space<vmem>>, vector<1x16xf32>,
      %get3A_250 = vector.shape_cast %get3A_249 : vector<1x16xf32> to vector<16xf32>
      %mul3A_251 = arith.mulf %get3A_250, %add3A_122 : vector<16xf32>
      %swap3A = arith.index_cast %scan3A_246 : i32 to index
      %swap3A_252 = arith.constant 0 : index
      %swap3A_253 = tpu.vector_load %arg7[%swap3A, %swap3A_252] {strides = array<i32>} : memref<128x128xf32, #tpu.memory_space<vmem>>, vector<1x16xf32>,
      %swap3A_254 = vector.shape_cast %swap3A_253 : vector<1x16xf32> to vector<16xf32>
      %swap3A_255 = vector.shape_cast %mul3A_251 : vector<16xf32> to vector<1x16xf32>
      tpu.vector_store %arg7[%swap3A, %swap3A_252], %swap3A_255 {strides = array<i32>} : memref<128x128xf32, #tpu.memory_space<vmem>>, vector<1x16xf32>,
      %mul3A_256 = arith.mulf %get3A_250, %mul3A_131 : vector<16xf32>
      %swap3A_257 = arith.index_cast %scan3A_246 : i32 to index
      %swap3A_258 = arith.constant 0 : index
      %swap3A_259 = tpu.vector_load %arg8[%swap3A_257, %swap3A_258] {strides = array<i32>} : memref<128x128xf32, #tpu.memory_space<vmem>>, vector<1x16xf32>,
      %swap3A_260 = vector.shape_cast %swap3A_259 : vector<1x16xf32> to vector<16xf32>
      %swap3A_261 = vector.shape_cast %mul3A_256 : vector<16xf32> to vector<1x16xf32>
      tpu.vector_store %arg8[%swap3A_257, %swap3A_258], %swap3A_261 {strides = array<i32>} : memref<128x128xf32, #tpu.memory_space<vmem>>, vector<1x16xf32>,
      %get3A_262 = arith.index_cast %scan3A_246 : i32 to index
      %get3A_263 = arith.constant 16 : index
      %get3A_264 = tpu.vector_load %arg6[%get3A_262, %get3A_263] {strides = array<i32>} : memref<128x128xf32, #tpu.memory_space<vmem>>, vector<1x16xf32>,
      %get3A_265 = vector.shape_cast %get3A_264 : vector<1x16xf32> to vector<16xf32>
      %mul3A_266 = arith.mulf %get3A_265, %add3A_122 : vector<16xf32>
      %swap3A_267 = arith.index_cast %scan3A_246 : i32 to index
      %swap3A_268 = arith.constant 16 : index
      %swap3A_269 = tpu.vector_load %arg7[%swap3A_267, %swap3A_268] {strides = array<i32>} : memref<128x128xf32, #tpu.memory_space<vmem>>, vector<1x16xf32>,
      %swap3A_270 = vector.shape_cast %swap3A_269 : vector<1x16xf32> to vector<16xf32>
      %swap3A_271 = vector.shape_cast %mul3A_266 : vector<16xf32> to vector<1x16xf32>
      tpu.vector_store %arg7[%swap3A_267, %swap3A_268], %swap3A_271 {strides = array<i32>} : memref<128x128xf32, #tpu.memory_space<vmem>>, vector<1x16xf32>,
      %mul3A_272 = arith.mulf %get3A_265, %mul3A_131 : vector<16xf32>
      %swap3A_273 = arith.index_cast %scan3A_246 : i32 to index
      %swap3A_274 = arith.constant 16 : index
      %swap3A_275 = tpu.vector_load %arg8[%swap3A_273, %swap3A_274] {strides = array<i32>} : memref<128x128xf32, #tpu.memory_space<vmem>>, vector<1x16xf32>,
      %swap3A_276 = vector.shape_cast %swap3A_275 : vector<1x16xf32> to vector<16xf32>
      %swap3A_277 = vector.shape_cast %mul3A_272 : vector<16xf32> to vector<1x16xf32>
      tpu.vector_store %arg8[%swap3A_273, %swap3A_274], %swap3A_277 {strides = array<i32>} : memref<128x128xf32, #tpu.memory_space<vmem>>, vector<1x16xf32>,
      %get3A_278 = arith.index_cast %scan3A_246 : i32 to index
      %get3A_279 = arith.constant 32 : index
      %get3A_280 = tpu.vector_load %arg6[%get3A_278, %get3A_279] {strides = array<i32>} : memref<128x128xf32, #tpu.memory_space<vmem>>, vector<1x16xf32>,
      %get3A_281 = vector.shape_cast %get3A_280 : vector<1x16xf32> to vector<16xf32>
      %mul3A_282 = arith.mulf %get3A_281, %add3A_122 : vector<16xf32>
      %swap3A_283 = arith.index_cast %scan3A_246 : i32 to index
      %swap3A_284 = arith.constant 32 : index
      %swap3A_285 = tpu.vector_load %arg7[%swap3A_283, %swap3A_284] {strides = array<i32>} : memref<128x128xf32, #tpu.memory_space<vmem>>, vector<1x16xf32>,
      %swap3A_286 = vector.shape_cast %swap3A_285 : vector<1x16xf32> to vector<16xf32>
      %swap3A_287 = vector.shape_cast %mul3A_282 : vector<16xf32> to vector<1x16xf32>
      tpu.vector_store %arg7[%swap3A_283, %swap3A_284], %swap3A_287 {strides = array<i32>} : memref<128x128xf32, #tpu.memory_space<vmem>>, vector<1x16xf32>,
      %mul3A_288 = arith.mulf %get3A_281, %mul3A_131 : vector<16xf32>
      %swap3A_289 = arith.index_cast %scan3A_246 : i32 to index
      %swap3A_290 = arith.constant 32 : index
      %swap3A_291 = tpu.vector_load %arg8[%swap3A_289, %swap3A_290] {strides = array<i32>} : memref<128x128xf32, #tpu.memory_space<vmem>>, vector<1x16xf32>,
      %swap3A_292 = vector.shape_cast %swap3A_291 : vector<1x16xf32> to vector<16xf32>
      %swap3A_293 = vector.shape_cast %mul3A_288 : vector<16xf32> to vector<1x16xf32>
      tpu.vector_store %arg8[%swap3A_289, %swap3A_290], %swap3A_293 {strides = array<i32>} : memref<128x128xf32, #tpu.memory_space<vmem>>, vector<1x16xf32>,
      %get3A_294 = arith.index_cast %scan3A_246 : i32 to index
      %get3A_295 = arith.constant 48 : index
      %get3A_296 = tpu.vector_load %arg6[%get3A_294, %get3A_295] {strides = array<i32>} : memref<128x128xf32, #tpu.memory_space<vmem>>, vector<1x16xf32>,
      %get3A_297 = vector.shape_cast %get3A_296 : vector<1x16xf32> to vector<16xf32>
      %mul3A_298 = arith.mulf %get3A_297, %add3A_122 : vector<16xf32>
      %swap3A_299 = arith.index_cast %scan3A_246 : i32 to index
      %swap3A_300 = arith.constant 48 : index
      %swap3A_301 = tpu.vector_load %arg7[%swap3A_299, %swap3A_300] {strides = array<i32>} : memref<128x128xf32, #tpu.memory_space<vmem>>, vector<1x16xf32>,
      %swap3A_302 = vector.shape_cast %swap3A_301 : vector<1x16xf32> to vector<16xf32>
      %swap3A_303 = vector.shape_cast %mul3A_298 : vector<16xf32> to vector<1x16xf32>
      tpu.vector_store %arg7[%swap3A_299, %swap3A_300], %swap3A_303 {strides = array<i32>} : memref<128x128xf32, #tpu.memory_space<vmem>>, vector<1x16xf32>,
      %mul3A_304 = arith.mulf %get3A_297, %mul3A_131 : vector<16xf32>
      %swap3A_305 = arith.index_cast %scan3A_246 : i32 to index
      %swap3A_306 = arith.constant 48 : index
      %swap3A_307 = tpu.vector_load %arg8[%swap3A_305, %swap3A_306] {strides = array<i32>} : memref<128x128xf32, #tpu.memory_space<vmem>>, vector<1x16xf32>,
      %swap3A_308 = vector.shape_cast %swap3A_307 : vector<1x16xf32> to vector<16xf32>
      %swap3A_309 = vector.shape_cast %mul3A_304 : vector<16xf32> to vector<1x16xf32>
      tpu.vector_store %arg8[%swap3A_305, %swap3A_306], %swap3A_309 {strides = array<i32>} : memref<128x128xf32, #tpu.memory_space<vmem>>, vector<1x16xf32>,
      %get3A_310 = arith.index_cast %scan3A_246 : i32 to index
      %get3A_311 = arith.constant 64 : index
      %get3A_312 = tpu.vector_load %arg6[%get3A_310, %get3A_311] {strides = array<i32>} : memref<128x128xf32, #tpu.memory_space<vmem>>, vector<1x16xf32>,
      %get3A_313 = vector.shape_cast %get3A_312 : vector<1x16xf32> to vector<16xf32>
      %mul3A_314 = arith.mulf %get3A_313, %add3A_122 : vector<16xf32>
      %swap3A_315 = arith.index_cast %scan3A_246 : i32 to index
      %swap3A_316 = arith.constant 64 : index
      %swap3A_317 = tpu.vector_load %arg7[%swap3A_315, %swap3A_316] {strides = array<i32>} : memref<128x128xf32, #tpu.memory_space<vmem>>, vector<1x16xf32>,
      %swap3A_318 = vector.shape_cast %swap3A_317 : vector<1x16xf32> to vector<16xf32>
      %swap3A_319 = vector.shape_cast %mul3A_314 : vector<16xf32> to vector<1x16xf32>
      tpu.vector_store %arg7[%swap3A_315, %swap3A_316], %swap3A_319 {strides = array<i32>} : memref<128x128xf32, #tpu.memory_space<vmem>>, vector<1x16xf32>,
      %mul3A_320 = arith.mulf %get3A_313, %mul3A_131 : vector<16xf32>
      %swap3A_321 = arith.index_cast %scan3A_246 : i32 to index
      %swap3A_322 = arith.constant 64 : index
      %swap3A_323 = tpu.vector_load %arg8[%swap3A_321, %swap3A_322] {strides = array<i32>} : memref<128x128xf32, #tpu.memory_space<vmem>>, vector<1x16xf32>,
      %swap3A_324 = vector.shape_cast %swap3A_323 : vector<1x16xf32> to vector<16xf32>
      %swap3A_325 = vector.shape_cast %mul3A_320 : vector<16xf32> to vector<1x16xf32>
      tpu.vector_store %arg8[%swap3A_321, %swap3A_322], %swap3A_325 {strides = array<i32>} : memref<128x128xf32, #tpu.memory_space<vmem>>, vector<1x16xf32>,
      %get3A_326 = arith.index_cast %scan3A_246 : i32 to index
      %get3A_327 = arith.constant 80 : index
      %get3A_328 = tpu.vector_load %arg6[%get3A_326, %get3A_327] {strides = array<i32>} : memref<128x128xf32, #tpu.memory_space<vmem>>, vector<1x16xf32>,
      %get3A_329 = vector.shape_cast %get3A_328 : vector<1x16xf32> to vector<16xf32>
      %mul3A_330 = arith.mulf %get3A_329, %add3A_122 : vector<16xf32>
      %swap3A_331 = arith.index_cast %scan3A_246 : i32 to index
      %swap3A_332 = arith.constant 80 : index
      %swap3A_333 = tpu.vector_load %arg7[%swap3A_331, %swap3A_332] {strides = array<i32>} : memref<128x128xf32, #tpu.memory_space<vmem>>, vector<1x16xf32>,
      %swap3A_334 = vector.shape_cast %swap3A_333 : vector<1x16xf32> to vector<16xf32>
      %swap3A_335 = vector.shape_cast %mul3A_330 : vector<16xf32> to vector<1x16xf32>
      tpu.vector_store %arg7[%swap3A_331, %swap3A_332], %swap3A_335 {strides = array<i32>} : memref<128x128xf32, #tpu.memory_space<vmem>>, vector<1x16xf32>,
      %mul3A_336 = arith.mulf %get3A_329, %mul3A_131 : vector<16xf32>
      %swap3A_337 = arith.index_cast %scan3A_246 : i32 to index
      %swap3A_338 = arith.constant 80 : index
      %swap3A_339 = tpu.vector_load %arg8[%swap3A_337, %swap3A_338] {strides = array<i32>} : memref<128x128xf32, #tpu.memory_space<vmem>>, vector<1x16xf32>,
      %swap3A_340 = vector.shape_cast %swap3A_339 : vector<1x16xf32> to vector<16xf32>
      %swap3A_341 = vector.shape_cast %mul3A_336 : vector<16xf32> to vector<1x16xf32>
      tpu.vector_store %arg8[%swap3A_337, %swap3A_338], %swap3A_341 {strides = array<i32>} : memref<128x128xf32, #tpu.memory_space<vmem>>, vector<1x16xf32>,
      %get3A_342 = arith.index_cast %scan3A_246 : i32 to index
      %get3A_343 = arith.constant 96 : index
      %get3A_344 = tpu.vector_load %arg6[%get3A_342, %get3A_343] {strides = array<i32>} : memref<128x128xf32, #tpu.memory_space<vmem>>, vector<1x16xf32>,
      %get3A_345 = vector.shape_cast %get3A_344 : vector<1x16xf32> to vector<16xf32>
      %mul3A_346 = arith.mulf %get3A_345, %add3A_122 : vector<16xf32>
      %swap3A_347 = arith.index_cast %scan3A_246 : i32 to index
      %swap3A_348 = arith.constant 96 : index
      %swap3A_349 = tpu.vector_load %arg7[%swap3A_347, %swap3A_348] {strides = array<i32>} : memref<128x128xf32, #tpu.memory_space<vmem>>, vector<1x16xf32>,
      %swap3A_350 = vector.shape_cast %swap3A_349 : vector<1x16xf32> to vector<16xf32>
      %swap3A_351 = vector.shape_cast %mul3A_346 : vector<16xf32> to vector<1x16xf32>
      tpu.vector_store %arg7[%swap3A_347, %swap3A_348], %swap3A_351 {strides = array<i32>} : memref<128x128xf32, #tpu.memory_space<vmem>>, vector<1x16xf32>,
      %mul3A_352 = arith.mulf %get3A_345, %mul3A_131 : vector<16xf32>
      %swap3A_353 = arith.index_cast %scan3A_246 : i32 to index
      %swap3A_354 = arith.constant 96 : index
      %swap3A_355 = tpu.vector_load %arg8[%swap3A_353, %swap3A_354] {strides = array<i32>} : memref<128x128xf32, #tpu.memory_space<vmem>>, vector<1x16xf32>,
      %swap3A_356 = vector.shape_cast %swap3A_355 : vector<1x16xf32> to vector<16xf32>
      %swap3A_357 = vector.shape_cast %mul3A_352 : vector<16xf32> to vector<1x16xf32>
      tpu.vector_store %arg8[%swap3A_353, %swap3A_354], %swap3A_357 {strides = array<i32>} : memref<128x128xf32, #tpu.memory_space<vmem>>, vector<1x16xf32>,
      %get3A_358 = arith.index_cast %scan3A_246 : i32 to index
      %get3A_359 = arith.constant 112 : index
      %get3A_360 = tpu.vector_load %arg6[%get3A_358, %get3A_359] {strides = array<i32>} : memref<128x128xf32, #tpu.memory_space<vmem>>, vector<1x16xf32>,
      %get3A_361 = vector.shape_cast %get3A_360 : vector<1x16xf32> to vector<16xf32>
      %mul3A_362 = arith.mulf %get3A_361, %add3A_122 : vector<16xf32>
      %swap3A_363 = arith.index_cast %scan3A_246 : i32 to index
      %swap3A_364 = arith.constant 112 : index
      %swap3A_365 = tpu.vector_load %arg7[%swap3A_363, %swap3A_364] {strides = array<i32>} : memref<128x128xf32, #tpu.memory_space<vmem>>, vector<1x16xf32>,
      %swap3A_366 = vector.shape_cast %swap3A_365 : vector<1x16xf32> to vector<16xf32>
      %swap3A_367 = vector.shape_cast %mul3A_362 : vector<16xf32> to vector<1x16xf32>
      tpu.vector_store %arg7[%swap3A_363, %swap3A_364], %swap3A_367 {strides = array<i32>} : memref<128x128xf32, #tpu.memory_space<vmem>>, vector<1x16xf32>,
      %mul3A_368 = arith.mulf %get3A_361, %mul3A_131 : vector<16xf32>
      %swap3A_369 = arith.index_cast %scan3A_246 : i32 to index
      %swap3A_370 = arith.constant 112 : index
      %swap3A_371 = tpu.vector_load %arg8[%swap3A_369, %swap3A_370] {strides = array<i32>} : memref<128x128xf32, #tpu.memory_space<vmem>>, vector<1x16xf32>,
      %swap3A_372 = vector.shape_cast %swap3A_371 : vector<1x16xf32> to vector<16xf32>
      %swap3A_373 = vector.shape_cast %mul3A_368 : vector<16xf32> to vector<1x16xf32>
      tpu.vector_store %arg8[%swap3A_369, %swap3A_370], %swap3A_373 {strides = array<i32>} : memref<128x128xf32, #tpu.memory_space<vmem>>, vector<1x16xf32>,
    }
    %scan3A_145 = arith.constant 64 : i32
    %dma_start3A_146 = arith.constant 0 : i32
    %dma_start3A_147 = arith.constant 0 : i32
    %dma_start3A_148 = tpu.memref_slice %arg7[%dma_start3A_146, %dma_start3A_147] : memref<128x128xf32, #tpu.memory_space<vmem>> -> memref<64x128xf32, #tpu.memory_space<vmem>>
    %dma_start3A_149 = arith.constant 0 : i32
    %dma_start3A_150 = tpu.memref_slice %arg4[%mul3A_2, %dma_start3A_149] : memref<4096x128xf32, #tpu.memory_space<hbm>> -> memref<64x128xf32, #tpu.memory_space<hbm>>
    %dma_start3A_151 = arith.constant 0 : i32
    %dma_start3A_152 = tpu.memref_slice %arg4[%mul3A_2, %dma_start3A_151] : memref<4096x128xf32, #tpu.memory_space<hbm>> -> memref<64x128xf32, #tpu.memory_space<hbm>>
    %dma_start3A_153 = arith.constant 0 : i32
    %dma_start3A_154 = arith.constant 0 : i32
    %dma_start3A_155 = tpu.memref_slice %arg7[%dma_start3A_153, %dma_start3A_154] : memref<128x128xf32, #tpu.memory_space<vmem>> -> memref<64x128xf32, #tpu.memory_space<vmem>>
    tpu.enqueue_dma source(%dma_start3A_155 : memref<64x128xf32, #tpu.memory_space<vmem>>) target(%dma_start3A_152 : memref<64x128xf32, #tpu.memory_space<hbm>>) target_semaphore(%arg12 : memref<!tpu.dma_semaphore, #tpu.memory_space<semaphore_mem>>)
    %dma_start3A_156 = arith.constant 0 : i32
    %dma_start3A_157 = arith.constant 0 : i32
    %dma_start3A_158 = tpu.memref_slice %arg8[%dma_start3A_156, %dma_start3A_157] : memref<128x128xf32, #tpu.memory_space<vmem>> -> memref<64x128xf32, #tpu.memory_space<vmem>>
    %dma_start3A_159 = arith.constant 0 : i32
    %dma_start3A_160 = tpu.memref_slice %arg5[%mul3A_2, %dma_start3A_159] : memref<4096x128xf32, #tpu.memory_space<hbm>> -> memref<64x128xf32, #tpu.memory_space<hbm>>
    %dma_start3A_161 = arith.constant 0 : i32
    %dma_start3A_162 = tpu.memref_slice %arg5[%mul3A_2, %dma_start3A_161] : memref<4096x128xf32, #tpu.memory_space<hbm>> -> memref<64x128xf32, #tpu.memory_space<hbm>>
    %dma_start3A_163 = arith.constant 0 : i32
    %dma_start3A_164 = arith.constant 0 : i32
    %dma_start3A_165 = tpu.memref_slice %arg8[%dma_start3A_163, %dma_start3A_164] : memref<128x128xf32, #tpu.memory_space<vmem>> -> memref<64x128xf32, #tpu.memory_space<vmem>>
    tpu.enqueue_dma source(%dma_start3A_165 : memref<64x128xf32, #tpu.memory_space<vmem>>) target(%dma_start3A_162 : memref<64x128xf32, #tpu.memory_space<hbm>>) target_semaphore(%arg12 : memref<!tpu.dma_semaphore, #tpu.memory_space<semaphore_mem>>)
    %dma_wait3A_166 = arith.constant 64 : i32
    %dma_wait3A_167 = arith.constant 0 : i32
    %dma_wait3A_168 = tpu.memref_slice %arg6[%dma_wait3A_166, %dma_wait3A_167] : memref<128x128xf32, #tpu.memory_space<vmem>> -> memref<64x128xf32, #tpu.memory_space<vmem>>
    %dma_wait3A_169 = arith.constant 0 : i32
    %dma_wait3A_170 = tpu.memref_slice %arg2[%add3A_13, %dma_wait3A_169] : memref<4096x128xf32, #tpu.memory_space<hbm>> -> memref<64x128xf32, #tpu.memory_space<hbm>>
    %dma_wait3A_171 = arith.constant 64 : i32
    %dma_wait3A_172 = arith.constant 0 : i32
    %dma_wait3A_173 = tpu.memref_slice %arg6[%dma_wait3A_171, %dma_wait3A_172] : memref<128x128xf32, #tpu.memory_space<vmem>> -> memref<64x128xf32, #tpu.memory_space<vmem>>
    %dma_wait3A_174 = arith.constant 0 : i32
    %dma_wait3A_175 = tpu.memref_slice %arg2[%add3A_13, %dma_wait3A_174] : memref<4096x128xf32, #tpu.memory_space<hbm>> -> memref<64x128xf32, #tpu.memory_space<hbm>>
    tpu.wait_dma2 semaphore(%arg11 : memref<!tpu.dma_semaphore, #tpu.memory_space<semaphore_mem>>) src(%dma_wait3A_175 : memref<64x128xf32, #tpu.memory_space<hbm>>) dst(%dma_wait3A_173 : memref<64x128xf32, #tpu.memory_space<vmem>>)
    %scan3A_176 = arith.constant 0 : i32
    %scan3A_177 = arith.constant 64 : i32
    %scan3A_178 = arith.constant 64 : i32
    %scan3A_179 = arith.addi %scan3A_177, %scan3A_178 : i32
    %scan3A_180 = arith.constant 1 : i32
    scf.for %scan3A_246 = %scan3A_177 to %scan3A_179 step %scan3A_180  : i32 {
      %get3A_247 = arith.index_cast %scan3A_246 : i32 to index
      %get3A_248 = arith.constant 0 : index
      %get3A_249 = tpu.vector_load %arg6[%get3A_247, %get3A_248] {strides = array<i32>} : memref<128x128xf32, #tpu.memory_space<vmem>>, vector<1x16xf32>,
      %get3A_250 = vector.shape_cast %get3A_249 : vector<1x16xf32> to vector<16xf32>
      %mul3A_251 = arith.mulf %get3A_250, %add3A_122 : vector<16xf32>
      %swap3A = arith.index_cast %scan3A_246 : i32 to index
      %swap3A_252 = arith.constant 0 : index
      %swap3A_253 = tpu.vector_load %arg7[%swap3A, %swap3A_252] {strides = array<i32>} : memref<128x128xf32, #tpu.memory_space<vmem>>, vector<1x16xf32>,
      %swap3A_254 = vector.shape_cast %swap3A_253 : vector<1x16xf32> to vector<16xf32>
      %swap3A_255 = vector.shape_cast %mul3A_251 : vector<16xf32> to vector<1x16xf32>
      tpu.vector_store %arg7[%swap3A, %swap3A_252], %swap3A_255 {strides = array<i32>} : memref<128x128xf32, #tpu.memory_space<vmem>>, vector<1x16xf32>,
      %mul3A_256 = arith.mulf %get3A_250, %mul3A_131 : vector<16xf32>
      %swap3A_257 = arith.index_cast %scan3A_246 : i32 to index
      %swap3A_258 = arith.constant 0 : index
      %swap3A_259 = tpu.vector_load %arg8[%swap3A_257, %swap3A_258] {strides = array<i32>} : memref<128x128xf32, #tpu.memory_space<vmem>>, vector<1x16xf32>,
      %swap3A_260 = vector.shape_cast %swap3A_259 : vector<1x16xf32> to vector<16xf32>
      %swap3A_261 = vector.shape_cast %mul3A_256 : vector<16xf32> to vector<1x16xf32>
      tpu.vector_store %arg8[%swap3A_257, %swap3A_258], %swap3A_261 {strides = array<i32>} : memref<128x128xf32, #tpu.memory_space<vmem>>, vector<1x16xf32>,
      %get3A_262 = arith.index_cast %scan3A_246 : i32 to index
      %get3A_263 = arith.constant 16 : index
      %get3A_264 = tpu.vector_load %arg6[%get3A_262, %get3A_263] {strides = array<i32>} : memref<128x128xf32, #tpu.memory_space<vmem>>, vector<1x16xf32>,
      %get3A_265 = vector.shape_cast %get3A_264 : vector<1x16xf32> to vector<16xf32>
      %mul3A_266 = arith.mulf %get3A_265, %add3A_122 : vector<16xf32>
      %swap3A_267 = arith.index_cast %scan3A_246 : i32 to index
      %swap3A_268 = arith.constant 16 : index
      %swap3A_269 = tpu.vector_load %arg7[%swap3A_267, %swap3A_268] {strides = array<i32>} : memref<128x128xf32, #tpu.memory_space<vmem>>, vector<1x16xf32>,
      %swap3A_270 = vector.shape_cast %swap3A_269 : vector<1x16xf32> to vector<16xf32>
      %swap3A_271 = vector.shape_cast %mul3A_266 : vector<16xf32> to vector<1x16xf32>
      tpu.vector_store %arg7[%swap3A_267, %swap3A_268], %swap3A_271 {strides = array<i32>} : memref<128x128xf32, #tpu.memory_space<vmem>>, vector<1x16xf32>,
      %mul3A_272 = arith.mulf %get3A_265, %mul3A_131 : vector<16xf32>
      %swap3A_273 = arith.index_cast %scan3A_246 : i32 to index
      %swap3A_274 = arith.constant 16 : index
      %swap3A_275 = tpu.vector_load %arg8[%swap3A_273, %swap3A_274] {strides = array<i32>} : memref<128x128xf32, #tpu.memory_space<vmem>>, vector<1x16xf32>,
      %swap3A_276 = vector.shape_cast %swap3A_275 : vector<1x16xf32> to vector<16xf32>
      %swap3A_277 = vector.shape_cast %mul3A_272 : vector<16xf32> to vector<1x16xf32>
      tpu.vector_store %arg8[%swap3A_273, %swap3A_274], %swap3A_277 {strides = array<i32>} : memref<128x128xf32, #tpu.memory_space<vmem>>, vector<1x16xf32>,
      %get3A_278 = arith.index_cast %scan3A_246 : i32 to index
      %get3A_279 = arith.constant 32 : index
      %get3A_280 = tpu.vector_load %arg6[%get3A_278, %get3A_279] {strides = array<i32>} : memref<128x128xf32, #tpu.memory_space<vmem>>, vector<1x16xf32>,
      %get3A_281 = vector.shape_cast %get3A_280 : vector<1x16xf32> to vector<16xf32>
      %mul3A_282 = arith.mulf %get3A_281, %add3A_122 : vector<16xf32>
      %swap3A_283 = arith.index_cast %scan3A_246 : i32 to index
      %swap3A_284 = arith.constant 32 : index
      %swap3A_285 = tpu.vector_load %arg7[%swap3A_283, %swap3A_284] {strides = array<i32>} : memref<128x128xf32, #tpu.memory_space<vmem>>, vector<1x16xf32>,
      %swap3A_286 = vector.shape_cast %swap3A_285 : vector<1x16xf32> to vector<16xf32>
      %swap3A_287 = vector.shape_cast %mul3A_282 : vector<16xf32> to vector<1x16xf32>
      tpu.vector_store %arg7[%swap3A_283, %swap3A_284], %swap3A_287 {strides = array<i32>} : memref<128x128xf32, #tpu.memory_space<vmem>>, vector<1x16xf32>,
      %mul3A_288 = arith.mulf %get3A_281, %mul3A_131 : vector<16xf32>
      %swap3A_289 = arith.index_cast %scan3A_246 : i32 to index
      %swap3A_290 = arith.constant 32 : index
      %swap3A_291 = tpu.vector_load %arg8[%swap3A_289, %swap3A_290] {strides = array<i32>} : memref<128x128xf32, #tpu.memory_space<vmem>>, vector<1x16xf32>,
      %swap3A_292 = vector.shape_cast %swap3A_291 : vector<1x16xf32> to vector<16xf32>
      %swap3A_293 = vector.shape_cast %mul3A_288 : vector<16xf32> to vector<1x16xf32>
      tpu.vector_store %arg8[%swap3A_289, %swap3A_290], %swap3A_293 {strides = array<i32>} : memref<128x128xf32, #tpu.memory_space<vmem>>, vector<1x16xf32>,
      %get3A_294 = arith.index_cast %scan3A_246 : i32 to index
      %get3A_295 = arith.constant 48 : index
      %get3A_296 = tpu.vector_load %arg6[%get3A_294, %get3A_295] {strides = array<i32>} : memref<128x128xf32, #tpu.memory_space<vmem>>, vector<1x16xf32>,
      %get3A_297 = vector.shape_cast %get3A_296 : vector<1x16xf32> to vector<16xf32>
      %mul3A_298 = arith.mulf %get3A_297, %add3A_122 : vector<16xf32>
      %swap3A_299 = arith.index_cast %scan3A_246 : i32 to index
      %swap3A_300 = arith.constant 48 : index
      %swap3A_301 = tpu.vector_load %arg7[%swap3A_299, %swap3A_300] {strides = array<i32>} : memref<128x128xf32, #tpu.memory_space<vmem>>, vector<1x16xf32>,
      %swap3A_302 = vector.shape_cast %swap3A_301 : vector<1x16xf32> to vector<16xf32>
      %swap3A_303 = vector.shape_cast %mul3A_298 : vector<16xf32> to vector<1x16xf32>
      tpu.vector_store %arg7[%swap3A_299, %swap3A_300], %swap3A_303 {strides = array<i32>} : memref<128x128xf32, #tpu.memory_space<vmem>>, vector<1x16xf32>,
      %mul3A_304 = arith.mulf %get3A_297, %mul3A_131 : vector<16xf32>
      %swap3A_305 = arith.index_cast %scan3A_246 : i32 to index
      %swap3A_306 = arith.constant 48 : index
      %swap3A_307 = tpu.vector_load %arg8[%swap3A_305, %swap3A_306] {strides = array<i32>} : memref<128x128xf32, #tpu.memory_space<vmem>>, vector<1x16xf32>,
      %swap3A_308 = vector.shape_cast %swap3A_307 : vector<1x16xf32> to vector<16xf32>
      %swap3A_309 = vector.shape_cast %mul3A_304 : vector<16xf32> to vector<1x16xf32>
      tpu.vector_store %arg8[%swap3A_305, %swap3A_306], %swap3A_309 {strides = array<i32>} : memref<128x128xf32, #tpu.memory_space<vmem>>, vector<1x16xf32>,
      %get3A_310 = arith.index_cast %scan3A_246 : i32 to index
      %get3A_311 = arith.constant 64 : index
      %get3A_312 = tpu.vector_load %arg6[%get3A_310, %get3A_311] {strides = array<i32>} : memref<128x128xf32, #tpu.memory_space<vmem>>, vector<1x16xf32>,
      %get3A_313 = vector.shape_cast %get3A_312 : vector<1x16xf32> to vector<16xf32>
      %mul3A_314 = arith.mulf %get3A_313, %add3A_122 : vector<16xf32>
      %swap3A_315 = arith.index_cast %scan3A_246 : i32 to index
      %swap3A_316 = arith.constant 64 : index
      %swap3A_317 = tpu.vector_load %arg7[%swap3A_315, %swap3A_316] {strides = array<i32>} : memref<128x128xf32, #tpu.memory_space<vmem>>, vector<1x16xf32>,
      %swap3A_318 = vector.shape_cast %swap3A_317 : vector<1x16xf32> to vector<16xf32>
      %swap3A_319 = vector.shape_cast %mul3A_314 : vector<16xf32> to vector<1x16xf32>
      tpu.vector_store %arg7[%swap3A_315, %swap3A_316], %swap3A_319 {strides = array<i32>} : memref<128x128xf32, #tpu.memory_space<vmem>>, vector<1x16xf32>,
      %mul3A_320 = arith.mulf %get3A_313, %mul3A_131 : vector<16xf32>
      %swap3A_321 = arith.index_cast %scan3A_246 : i32 to index
      %swap3A_322 = arith.constant 64 : index
      %swap3A_323 = tpu.vector_load %arg8[%swap3A_321, %swap3A_322] {strides = array<i32>} : memref<128x128xf32, #tpu.memory_space<vmem>>, vector<1x16xf32>,
      %swap3A_324 = vector.shape_cast %swap3A_323 : vector<1x16xf32> to vector<16xf32>
      %swap3A_325 = vector.shape_cast %mul3A_320 : vector<16xf32> to vector<1x16xf32>
      tpu.vector_store %arg8[%swap3A_321, %swap3A_322], %swap3A_325 {strides = array<i32>} : memref<128x128xf32, #tpu.memory_space<vmem>>, vector<1x16xf32>,
      %get3A_326 = arith.index_cast %scan3A_246 : i32 to index
      %get3A_327 = arith.constant 80 : index
      %get3A_328 = tpu.vector_load %arg6[%get3A_326, %get3A_327] {strides = array<i32>} : memref<128x128xf32, #tpu.memory_space<vmem>>, vector<1x16xf32>,
      %get3A_329 = vector.shape_cast %get3A_328 : vector<1x16xf32> to vector<16xf32>
      %mul3A_330 = arith.mulf %get3A_329, %add3A_122 : vector<16xf32>
      %swap3A_331 = arith.index_cast %scan3A_246 : i32 to index
      %swap3A_332 = arith.constant 80 : index
      %swap3A_333 = tpu.vector_load %arg7[%swap3A_331, %swap3A_332] {strides = array<i32>} : memref<128x128xf32, #tpu.memory_space<vmem>>, vector<1x16xf32>,
      %swap3A_334 = vector.shape_cast %swap3A_333 : vector<1x16xf32> to vector<16xf32>
      %swap3A_335 = vector.shape_cast %mul3A_330 : vector<16xf32> to vector<1x16xf32>
      tpu.vector_store %arg7[%swap3A_331, %swap3A_332], %swap3A_335 {strides = array<i32>} : memref<128x128xf32, #tpu.memory_space<vmem>>, vector<1x16xf32>,
      %mul3A_336 = arith.mulf %get3A_329, %mul3A_131 : vector<16xf32>
      %swap3A_337 = arith.index_cast %scan3A_246 : i32 to index
      %swap3A_338 = arith.constant 80 : index
      %swap3A_339 = tpu.vector_load %arg8[%swap3A_337, %swap3A_338] {strides = array<i32>} : memref<128x128xf32, #tpu.memory_space<vmem>>, vector<1x16xf32>,
      %swap3A_340 = vector.shape_cast %swap3A_339 : vector<1x16xf32> to vector<16xf32>
      %swap3A_341 = vector.shape_cast %mul3A_336 : vector<16xf32> to vector<1x16xf32>
      tpu.vector_store %arg8[%swap3A_337, %swap3A_338], %swap3A_341 {strides = array<i32>} : memref<128x128xf32, #tpu.memory_space<vmem>>, vector<1x16xf32>,
      %get3A_342 = arith.index_cast %scan3A_246 : i32 to index
      %get3A_343 = arith.constant 96 : index
      %get3A_344 = tpu.vector_load %arg6[%get3A_342, %get3A_343] {strides = array<i32>} : memref<128x128xf32, #tpu.memory_space<vmem>>, vector<1x16xf32>,
      %get3A_345 = vector.shape_cast %get3A_344 : vector<1x16xf32> to vector<16xf32>
      %mul3A_346 = arith.mulf %get3A_345, %add3A_122 : vector<16xf32>
      %swap3A_347 = arith.index_cast %scan3A_246 : i32 to index
      %swap3A_348 = arith.constant 96 : index
      %swap3A_349 = tpu.vector_load %arg7[%swap3A_347, %swap3A_348] {strides = array<i32>} : memref<128x128xf32, #tpu.memory_space<vmem>>, vector<1x16xf32>,
      %swap3A_350 = vector.shape_cast %swap3A_349 : vector<1x16xf32> to vector<16xf32>
      %swap3A_351 = vector.shape_cast %mul3A_346 : vector<16xf32> to vector<1x16xf32>
      tpu.vector_store %arg7[%swap3A_347, %swap3A_348], %swap3A_351 {strides = array<i32>} : memref<128x128xf32, #tpu.memory_space<vmem>>, vector<1x16xf32>,
      %mul3A_352 = arith.mulf %get3A_345, %mul3A_131 : vector<16xf32>
      %swap3A_353 = arith.index_cast %scan3A_246 : i32 to index
      %swap3A_354 = arith.constant 96 : index
      %swap3A_355 = tpu.vector_load %arg8[%swap3A_353, %swap3A_354] {strides = array<i32>} : memref<128x128xf32, #tpu.memory_space<vmem>>, vector<1x16xf32>,
      %swap3A_356 = vector.shape_cast %swap3A_355 : vector<1x16xf32> to vector<16xf32>
      %swap3A_357 = vector.shape_cast %mul3A_352 : vector<16xf32> to vector<1x16xf32>
      tpu.vector_store %arg8[%swap3A_353, %swap3A_354], %swap3A_357 {strides = array<i32>} : memref<128x128xf32, #tpu.memory_space<vmem>>, vector<1x16xf32>,
      %get3A_358 = arith.index_cast %scan3A_246 : i32 to index
      %get3A_359 = arith.constant 112 : index
      %get3A_360 = tpu.vector_load %arg6[%get3A_358, %get3A_359] {strides = array<i32>} : memref<128x128xf32, #tpu.memory_space<vmem>>, vector<1x16xf32>,
      %get3A_361 = vector.shape_cast %get3A_360 : vector<1x16xf32> to vector<16xf32>
      %mul3A_362 = arith.mulf %get3A_361, %add3A_122 : vector<16xf32>
      %swap3A_363 = arith.index_cast %scan3A_246 : i32 to index
      %swap3A_364 = arith.constant 112 : index
      %swap3A_365 = tpu.vector_load %arg7[%swap3A_363, %swap3A_364] {strides = array<i32>} : memref<128x128xf32, #tpu.memory_space<vmem>>, vector<1x16xf32>,
      %swap3A_366 = vector.shape_cast %swap3A_365 : vector<1x16xf32> to vector<16xf32>
      %swap3A_367 = vector.shape_cast %mul3A_362 : vector<16xf32> to vector<1x16xf32>
      tpu.vector_store %arg7[%swap3A_363, %swap3A_364], %swap3A_367 {strides = array<i32>} : memref<128x128xf32, #tpu.memory_space<vmem>>, vector<1x16xf32>,
      %mul3A_368 = arith.mulf %get3A_361, %mul3A_131 : vector<16xf32>
      %swap3A_369 = arith.index_cast %scan3A_246 : i32 to index
      %swap3A_370 = arith.constant 112 : index
      %swap3A_371 = tpu.vector_load %arg8[%swap3A_369, %swap3A_370] {strides = array<i32>} : memref<128x128xf32, #tpu.memory_space<vmem>>, vector<1x16xf32>,
      %swap3A_372 = vector.shape_cast %swap3A_371 : vector<1x16xf32> to vector<16xf32>
      %swap3A_373 = vector.shape_cast %mul3A_368 : vector<16xf32> to vector<1x16xf32>
      tpu.vector_store %arg8[%swap3A_369, %swap3A_370], %swap3A_373 {strides = array<i32>} : memref<128x128xf32, #tpu.memory_space<vmem>>, vector<1x16xf32>,
    }
    %scan3A_181 = arith.constant 64 : i32
    %add3A_182 = arith.constant 64 : i32
    %add3A_183 = arith.addi %mul3A_2, %add3A_182 : i32
    %dma_start3A_184 = arith.constant 64 : i32
    %dma_start3A_185 = arith.constant 0 : i32
    %dma_start3A_186 = tpu.memref_slice %arg7[%dma_start3A_184, %dma_start3A_185] : memref<128x128xf32, #tpu.memory_space<vmem>> -> memref<64x128xf32, #tpu.memory_space<vmem>>
    %dma_start3A_187 = arith.constant 0 : i32
    %dma_start3A_188 = tpu.memref_slice %arg4[%add3A_183, %dma_start3A_187] : memref<4096x128xf32, #tpu.memory_space<hbm>> -> memref<64x128xf32, #tpu.memory_space<hbm>>
    %dma_start3A_189 = arith.constant 0 : i32
    %dma_start3A_190 = tpu.memref_slice %arg4[%add3A_183, %dma_start3A_189] : memref<4096x128xf32, #tpu.memory_space<hbm>> -> memref<64x128xf32, #tpu.memory_space<hbm>>
    %dma_start3A_191 = arith.constant 64 : i32
    %dma_start3A_192 = arith.constant 0 : i32
    %dma_start3A_193 = tpu.memref_slice %arg7[%dma_start3A_191, %dma_start3A_192] : memref<128x128xf32, #tpu.memory_space<vmem>> -> memref<64x128xf32, #tpu.memory_space<vmem>>
    tpu.enqueue_dma source(%dma_start3A_193 : memref<64x128xf32, #tpu.memory_space<vmem>>) target(%dma_start3A_190 : memref<64x128xf32, #tpu.memory_space<hbm>>) target_semaphore(%arg12 : memref<!tpu.dma_semaphore, #tpu.memory_space<semaphore_mem>>)
    %add3A_194 = arith.constant 64 : i32
    %add3A_195 = arith.addi %mul3A_2, %add3A_194 : i32
    %dma_start3A_196 = arith.constant 64 : i32
    %dma_start3A_197 = arith.constant 0 : i32
    %dma_start3A_198 = tpu.memref_slice %arg8[%dma_start3A_196, %dma_start3A_197] : memref<128x128xf32, #tpu.memory_space<vmem>> -> memref<64x128xf32, #tpu.memory_space<vmem>>
    %dma_start3A_199 = arith.constant 0 : i32
    %dma_start3A_200 = tpu.memref_slice %arg5[%add3A_195, %dma_start3A_199] : memref<4096x128xf32, #tpu.memory_space<hbm>> -> memref<64x128xf32, #tpu.memory_space<hbm>>
    %dma_start3A_201 = arith.constant 0 : i32
    %dma_start3A_202 = tpu.memref_slice %arg5[%add3A_195, %dma_start3A_201] : memref<4096x128xf32, #tpu.memory_space<hbm>> -> memref<64x128xf32, #tpu.memory_space<hbm>>
    %dma_start3A_203 = arith.constant 64 : i32
    %dma_start3A_204 = arith.constant 0 : i32
    %dma_start3A_205 = tpu.memref_slice %arg8[%dma_start3A_203, %dma_start3A_204] : memref<128x128xf32, #tpu.memory_space<vmem>> -> memref<64x128xf32, #tpu.memory_space<vmem>>
    tpu.enqueue_dma source(%dma_start3A_205 : memref<64x128xf32, #tpu.memory_space<vmem>>) target(%dma_start3A_202 : memref<64x128xf32, #tpu.memory_space<hbm>>) target_semaphore(%arg12 : memref<!tpu.dma_semaphore, #tpu.memory_space<semaphore_mem>>)
    %dma_wait3A_206 = arith.constant 0 : i32
    %dma_wait3A_207 = arith.constant 0 : i32
    %dma_wait3A_208 = tpu.memref_slice %arg7[%dma_wait3A_206, %dma_wait3A_207] : memref<128x128xf32, #tpu.memory_space<vmem>> -> memref<64x128xf32, #tpu.memory_space<vmem>>
    %dma_wait3A_209 = arith.constant 0 : i32
    %dma_wait3A_210 = tpu.memref_slice %arg4[%mul3A_2, %dma_wait3A_209] : memref<4096x128xf32, #tpu.memory_space<hbm>> -> memref<64x128xf32, #tpu.memory_space<hbm>>
    %dma_wait3A_211 = arith.constant 0 : i32
    %dma_wait3A_212 = tpu.memref_slice %arg4[%mul3A_2, %dma_wait3A_211] : memref<4096x128xf32, #tpu.memory_space<hbm>> -> memref<64x128xf32, #tpu.memory_space<hbm>>
    %dma_wait3A_213 = arith.constant 0 : i32
    %dma_wait3A_214 = arith.constant 0 : i32
    %dma_wait3A_215 = tpu.memref_slice %arg7[%dma_wait3A_213, %dma_wait3A_214] : memref<128x128xf32, #tpu.memory_space<vmem>> -> memref<64x128xf32, #tpu.memory_space<vmem>>
    tpu.wait_dma2 semaphore(%arg12 : memref<!tpu.dma_semaphore, #tpu.memory_space<semaphore_mem>>) src(%dma_wait3A_215 : memref<64x128xf32, #tpu.memory_space<vmem>>) dst(%dma_wait3A_212 : memref<64x128xf32, #tpu.memory_space<hbm>>)
    %dma_wait3A_216 = arith.constant 0 : i32
    %dma_wait3A_217 = arith.constant 0 : i32
    %dma_wait3A_218 = tpu.memref_slice %arg8[%dma_wait3A_216, %dma_wait3A_217] : memref<128x128xf32, #tpu.memory_space<vmem>> -> memref<64x128xf32, #tpu.memory_space<vmem>>
    %dma_wait3A_219 = arith.constant 0 : i32
    %dma_wait3A_220 = tpu.memref_slice %arg5[%mul3A_2, %dma_wait3A_219] : memref<4096x128xf32, #tpu.memory_space<hbm>> -> memref<64x128xf32, #tpu.memory_space<hbm>>
    %dma_wait3A_221 = arith.constant 0 : i32
    %dma_wait3A_222 = tpu.memref_slice %arg5[%mul3A_2, %dma_wait3A_221] : memref<4096x128xf32, #tpu.memory_space<hbm>> -> memref<64x128xf32, #tpu.memory_space<hbm>>
    %dma_wait3A_223 = arith.constant 0 : i32
    %dma_wait3A_224 = arith.constant 0 : i32
    %dma_wait3A_225 = tpu.memref_slice %arg8[%dma_wait3A_223, %dma_wait3A_224] : memref<128x128xf32, #tpu.memory_space<vmem>> -> memref<64x128xf32, #tpu.memory_space<vmem>>
    tpu.wait_dma2 semaphore(%arg12 : memref<!tpu.dma_semaphore, #tpu.memory_space<semaphore_mem>>) src(%dma_wait3A_225 : memref<64x128xf32, #tpu.memory_space<vmem>>) dst(%dma_wait3A_222 : memref<64x128xf32, #tpu.memory_space<hbm>>)
    %dma_wait3A_226 = arith.constant 64 : i32
    %dma_wait3A_227 = arith.constant 0 : i32
    %dma_wait3A_228 = tpu.memref_slice %arg7[%dma_wait3A_226, %dma_wait3A_227] : memref<128x128xf32, #tpu.memory_space<vmem>> -> memref<64x128xf32, #tpu.memory_space<vmem>>
    %dma_wait3A_229 = arith.constant 0 : i32
    %dma_wait3A_230 = tpu.memref_slice %arg4[%add3A_183, %dma_wait3A_229] : memref<4096x128xf32, #tpu.memory_space<hbm>> -> memref<64x128xf32, #tpu.memory_space<hbm>>
    %dma_wait3A_231 = arith.constant 0 : i32
    %dma_wait3A_232 = tpu.memref_slice %arg4[%add3A_183, %dma_wait3A_231] : memref<4096x128xf32, #tpu.memory_space<hbm>> -> memref<64x128xf32, #tpu.memory_space<hbm>>
    %dma_wait3A_233 = arith.constant 64 : i32
    %dma_wait3A_234 = arith.constant 0 : i32
    %dma_wait3A_235 = tpu.memref_slice %arg7[%dma_wait3A_233, %dma_wait3A_234] : memref<128x128xf32, #tpu.memory_space<vmem>> -> memref<64x128xf32, #tpu.memory_space<vmem>>
    tpu.wait_dma2 semaphore(%arg12 : memref<!tpu.dma_semaphore, #tpu.memory_space<semaphore_mem>>) src(%dma_wait3A_235 : memref<64x128xf32, #tpu.memory_space<vmem>>) dst(%dma_wait3A_232 : memref<64x128xf32, #tpu.memory_space<hbm>>)
    %dma_wait3A_236 = arith.constant 64 : i32
    %dma_wait3A_237 = arith.constant 0 : i32
    %dma_wait3A_238 = tpu.memref_slice %arg8[%dma_wait3A_236, %dma_wait3A_237] : memref<128x128xf32, #tpu.memory_space<vmem>> -> memref<64x128xf32, #tpu.memory_space<vmem>>
    %dma_wait3A_239 = arith.constant 0 : i32
    %dma_wait3A_240 = tpu.memref_slice %arg5[%add3A_195, %dma_wait3A_239] : memref<4096x128xf32, #tpu.memory_space<hbm>> -> memref<64x128xf32, #tpu.memory_space<hbm>>
    %dma_wait3A_241 = arith.constant 0 : i32
    %dma_wait3A_242 = tpu.memref_slice %arg5[%add3A_195, %dma_wait3A_241] : memref<4096x128xf32, #tpu.memory_space<hbm>> -> memref<64x128xf32, #tpu.memory_space<hbm>>
    %dma_wait3A_243 = arith.constant 64 : i32
    %dma_wait3A_244 = arith.constant 0 : i32
    %dma_wait3A_245 = tpu.memref_slice %arg8[%dma_wait3A_243, %dma_wait3A_244] : memref<128x128xf32, #tpu.memory_space<vmem>> -> memref<64x128xf32, #tpu.memory_space<vmem>>
    tpu.wait_dma2 semaphore(%arg12 : memref<!tpu.dma_semaphore, #tpu.memory_space<semaphore_mem>>) src(%dma_wait3A_245 : memref<64x128xf32, #tpu.memory_space<vmem>>) dst(%dma_wait3A_242 : memref<64x128xf32, #tpu.memory_space<hbm>>)
    return
  }
}

</mosaic_0001>

<sc_bundles>
// kernel: kernel.3.cloned.1.call-start
scs
__scs_entry_jumppad:
0x0: {  	(pc) =	sbr.rel $0x88, $3  }
0x1: {  	(tag) =	ssettag $0x0;
	lr =	simm.s32 $0x1  }
0x2: {  	[smem:$0x3F9F] =	sst lr;
	_ =	strace $0xD0000000  }
0x3: {  	_ = 	snop  }
0x4: {  	_ = 	snop  }
0x5: {  	_ = 	snop  }
0x6: {  	_ = 	snop  }
0x7: {  	_ = 	snop  }
__scs_overlays_trampoline_lowered:
0x8: {  	[smem:$0x3FAE] =	sst s0  }
0x9: {  	[smem:$0x3FAF] =	sst s1  }
0xa: {  	[smem:$0x3FB0] =	sst s2  }
0xb: {  	[smem:$0x3FB1] =	sst s3  }
0xc: {  	[smem:$0x3FB2] =	sst s4  }
0xd: {  	[smem:$0x3FB3] =	sst s5  }
0xe: {  	[smem:$0x3FB4] =	sst s6  }
0xf: {  	[smem:$0x3FB5] =	sst s7  }
0x10: {  	[smem:$0x3FB6] =	sst s8  }
0x11: {  	[smem:$0x3FB7] =	sst s9;
	s0 =	simm.s32 @!p0 $0x0  }
0x12: {  	s1 =	sld [smem:$0x3F9D];
	s0 =	simm.s32 @p0 $0x1  }
0x13: {  	[smem:$0x3FB8] =	sst s0;
	s0 =	simm.s32 @!p1 $0x0  }
0x14: {  	s2 =	sld [smem:$0x3F9C];
	s0 =	simm.s32 @p1 $0x1  }
0x15: {  	[smem:$0x3FB9] =	sst s0;
	s0 =	simm.s32 @!p2 $0x0  }
0x16: {  	s3 =	sld [smem:$0x3FDB];
	s0 =	simm.s32 @p2 $0x1  }
0x17: {  	s4 =	simm.s32 $0x1BF5;
	[smem:$0x3FBB] =	sst s0  }
0x18: {  	s0 =	sld [smem:$0x3F9E];
	_ =	swait.ge [sflag:s4], $0x0  }
0x19: {  	s7 =	sld [smem:$0x3F9F]  }
0x1a: {  	s8 =	sadd.s32 $0xFFFFE003, lr  }
0x1b: {  	s9 =	sadd.s32 $0xFFFFFEF7, lr;
	s5 =	simm.s32 $0xFFFFFFFF;
	p2 =	slt.u32 s8, $0xFFFFF086  }
0x1c: {  	p1 =	slt.u32 s9, $0xF7A;
	s5 =	simm.s32 @!p2 $0x0  }
0x1d: {  	s5 =	simm.s32 @p1 $0x1;
	p0 =	seq.s32 s7, s2  }
0x1e: {  	s7 =	smul.u32 @!p0 $0xF7A, s2;
	p2 =	seq.s32 @!p0 s5, $0x0  }
0x1f: {  	s9 =	smul.u32 $0xF7A, s1;
	s8 =	simm.s32 @!p0 $0x1BF5;
	p2 =	por !p2, p0  }
0x20: {  	[sflag:s8] =	ssyncset.s32 @!p0 $0xFFFFF086;
	s6 =	sadd.s32 @!p0 s3, s7;
	s7 =	simm.s32 @!p0 $0x108  }
0x21: {  	s3 =	sadd.s32 s3, s9;
	s6 =	sadd.s32 @!p0 $0x88, s6;
	s7 =	simm.s32 @p2 $0x1082  }
0x22: {  	[simem:s7], [sflag:s8] =	dma.local @!p0 [hbm:s6], $0xF7A  }
0x23: {  	s9 =	sor.u32 $0xD0000000, s2;
	s6 =	simm.s32 $0x108;
	_ =	swait.ge @!p0 [sflag:s8], $0x0  }
0x24: {  	s3 =	sadd.s32 $0x88, s3;
	s6 =	simm.s32 @!p1 $0x1082;
	[sflag:s4] =	ssyncset.s32 $0xFFFFF086  }
0x25: {  	[simem:s6], [sflag:s4] =	dma.local [hbm:s3], $0xF7A  }
0x26: {  	[smem:$0x3F9F] =	sst s1;
	(tag) =	ssettag s2;
	_ =	strace s9  }
0x27: {  	s1 =	sld [smem:$0x3FAF]  }
0x28: {  	s2 =	sld [smem:$0x3FB0]  }
0x29: {  	s4 =	sld [smem:$0x3FB2]  }
0x2a: {  	p0 =	seq.s32 s5, $0x0;
	s5 =	sld [smem:$0x3FB3]  }
0x2b: {  	s6 =	sld [smem:$0x3FB4]  }
0x2c: {  	s7 =	sld [smem:$0x3FB5]  }
0x2d: {  	s3 =	simm.s32 $0x108;
	s8 =	sld [smem:$0x3FB6]  }
0x2e: {  	s3 =	simm.s32 @!p0 $0x1082;
	s9 =	sld [smem:$0x3FB7]  }
0x2f: {  	lr =	sadd.s32 s0, s3;
	s0 =	sld [smem:$0x3FAE]  }
0x30: {  	s3 =	sld [smem:$0x3FB1]  }
0x31: {  	[smem:$0x3FBA] =	sst s10  }
0x32: {  	s10 =	sld [smem:$0x3FB8];
	_ =	sdelay $0x3  }
0x33: {  	p0 =	seq.s32 s10, $0x1;
	s10 =	sld [smem:$0x3FBA];
	_ =	sdelay $0x3  }
0x34: {  	[smem:$0x3FBA] =	sst s10  }
0x35: {  	s10 =	sld [smem:$0x3FB9];
	_ =	sdelay $0x3  }
0x36: {  	p1 =	seq.s32 s10, $0x1;
	s10 =	sld [smem:$0x3FBA];
	_ =	sdelay $0x3  }
0x37: {  	[smem:$0x3FBA] =	sst s10  }
0x38: {  	s10 =	sld [smem:$0x3FBB]  }
0x39: {  	_ = 	snop;
	(pc) =	sbr.ind lr, $3  }
0x3a: {  	_ = 	snop  }
0x3b: {  	_ = 	snop  }
0x3c: {  	p2 =	seq.s32 s10, $0x1;
	s10 =	sld [smem:$0x3FBA]  }
0x3d: {  	_ =	shalt  }
0x3e: {  	_ =	shalt  }
0x3f: {  	_ =	shalt  }
0x40: {  	_ =	shalt  }
0x41: {  	_ =	shalt  }
0x42: {  	_ =	shalt  }
0x43: {  	_ =	shalt  }
0x44: {  	_ =	shalt  }
0x45: {  	_ =	shalt  }
0x46: {  	_ =	shalt  }
0x47: {  	_ =	shalt  }
0x48: {  	_ =	shalt  }
0x49: {  	_ =	shalt  }
0x4a: {  	_ =	shalt  }
0x4b: {  	_ =	shalt  }
0x4c: {  	_ =	shalt  }
0x4d: {  	_ =	shalt  }
0x4e: {  	_ =	shalt  }
0x4f: {  	_ =	shalt  }
0x50: {  	_ =	shalt  }
0x51: {  	_ =	shalt  }
0x52: {  	_ =	shalt  }
0x53: {  	_ =	shalt  }
0x54: {  	_ =	shalt  }
0x55: {  	_ =	shalt  }
0x56: {  	_ =	shalt  }
0x57: {  	_ =	shalt  }
0x58: {  	_ =	shalt  }
0x59: {  	_ =	shalt  }
0x5a: {  	_ =	shalt  }
0x5b: {  	_ =	shalt  }
0x5c: {  	_ =	shalt  }
0x5d: {  	_ =	shalt  }
0x5e: {  	_ =	shalt  }
0x5f: {  	_ =	shalt  }
0x60: {  	_ =	shalt  }
0x61: {  	_ =	shalt  }
0x62: {  	_ =	shalt  }
0x63: {  	_ =	shalt  }
0x64: {  	_ =	shalt  }
0x65: {  	_ =	shalt  }
0x66: {  	_ =	shalt  }
0x67: {  	_ =	shalt  }
0x68: {  	_ =	shalt  }
0x69: {  	_ =	shalt  }
0x6a: {  	_ =	shalt  }
0x6b: {  	_ =	shalt  }
0x6c: {  	_ =	shalt  }
0x6d: {  	_ =	shalt  }
0x6e: {  	_ =	shalt  }
0x6f: {  	_ =	shalt  }
0x70: {  	_ =	shalt  }
0x71: {  	_ =	shalt  }
0x72: {  	_ =	shalt  }
0x73: {  	_ =	shalt  }
0x74: {  	_ =	shalt  }
0x75: {  	_ =	shalt  }
0x76: {  	_ =	shalt  }
0x77: {  	_ =	shalt  }
0x78: {  	_ =	shalt  }
0x79: {  	_ =	shalt  }
0x7a: {  	_ =	shalt  }
0x7b: {  	_ =	shalt  }
0x7c: {  	_ =	shalt  }
0x7d: {  	_ =	shalt  }
0x7e: {  	_ =	shalt  }
0x7f: {  	_ =	shalt  }
0x80: {  	_ =	shalt  }
0x81: {  	_ =	shalt  }
0x82: {  	_ =	shalt  }
0x83: {  	_ =	shalt  }
0x84: {  	_ =	shalt  }
0x85: {  	_ =	shalt  }
0x86: {  	_ =	shalt  }
0x87: {  	_ =	shalt  }
.Lfunc_end0:
.L_simem_size_0:
called_computation_lowered:
.L_overlay_start_0:
0x88: {  	s2 =	sld [smem:$0x3FD9]  }
0x89: {  	s3 =	sld [smem:$0x3FFE];
	_ =	sdelay $0x1  }
0x8a: {  	s1 =	srdreg.scid  }
0x8b: {  	s0 =	sand.u32 $0x1, s1  }
0x8c: {  	s17 =	sshll.u32 s0, $0xA;
	s2 =	sadd.s32 s3, s2  }
0x8d: {  	s2 =	sadd.s32 s2, s17  }
0x8e: {  	[smem:$0x3FC6] =	sst s2  }
0x8f: {  	_ = 	snop  }
0x90: {  	s2 =	sld [smem:$0x3FC9];
	(tm) =	ssettm $0x1  }
0x91: {  	s18 =	sld [smem:$0x3FFB];
	_ =	sdelay $0x3  }
0x92: {  	_ =	strace s18  }
0x93: {  	s3 =	sld [smem:$0x3FFC];
	_ =	sdelay $0x3  }
0x94: {  	_ =	strace s3  }
0x95: {  	s3 =	sld [smem:$0x3FFD];
	_ =	sdelay $0x3  }
0x96: {  	_ =	strace s3  }
0x97: {  	_ =	strace $0x8FFFFFFF  }
0x98: {  	s19 =	sld [smem:$0x3FDB];
	_ =	sdelay $0x1  }
0x99: {  	s4 =	simm.s32 $_scs_section_size  }
0x9a: {  	s5 =	simm.s32 $_size__tile_overlayer_lowered;
	s6 =	simm.s32 $_tile_overlayer_lowered  }
0x9b: {  	s22 =	simm.s32 $0x1BFF;
	s21 =	sshll.u32 s6, $0x1;
	s3 =	sadd.s32 s4, s19  }
0x9c: {  	s7 =	simm.s32 $0x0;
	s20 =	sshll.u32 s5, $0x1;
	s5 =	sadd.s32 s21, s3  }
0x9d: {  	[timem:s7], [sflag:s22] =	dma.local [hbm:s5], s20  }
0x9e: {  	_ =	swait.ge [sflag:s22], s20  }
0x9f: {  	s4 =	ssub.s32 $0x0, s20;
	[sflag:s22] =	ssyncset.done $0x0  }
0xa0: {  	[sflag:s22] =	ssyncadd.s32 s4;
	_ =	sdelay $0x1  }
0xa1: {  	s23 =	simm.s32 $0x1B8B  }
0xa2: {  	_ =	swait.ge [sflag:s23], $0x1  }
0xa3: {  	[sflag:s23] =	ssyncset.done $0x0  }
0xa4: {  	s25 =	simm.s32 $0x1B8E;
	s24 =	sld [smem:$0x3FFE];
	[sflag:s23] =	ssyncadd.s32 $0xFFFFFFFF  }
0xa5: {  	s26 =	simm.s32 $execute0_lowered;
	[smem:$0x3FD2] =	sst s25  }
0xa6: {  	s5 =	sshll.u32 s26, $0x1;
	_ =	strace $0x80000046;
	[dreg:$0x1] =	wrdreg $0xFFFFFFFF  }
0xa7: {  	s28 =	simm.s32 $_size_execute0_lowered;
	s3 =	sadd.s32 s3, s5;
	[dreg:$0x0] =	wrdreg $0x0  }
0xa8: {  	s5 =	sshll.u32 s28, $0x1;
	[dreg:$0x2] =	wrdreg s3  }
0xa9: {  	[dreg:$0x3] =	wrdreg s5  }
0xaa: {  	[dreg:$0x4] =	wrdreg $0xC0  }
0xab: {  	_ =	task [dreg:s7], $0x5FFFF  }
0xac: {  	[dreg:$0x1] =	wrdreg $0xFFFFFFFF  }
0xad: {  	[dreg:$0x0] =	wrdreg $0x60  }
0xae: {  	[dreg:$0x2] =	wrdreg s2  }
0xaf: {  	[dreg:$0x3] =	wrdreg s24  }
0xb0: {  	[dreg:$0x4] =	wrdreg $0x9  }
0xb1: {  	_ =	task.clear_ibuf [dreg:s7], $0x5FFFF;
	_ =	strace $0x90000046  }
0xb2: {  	s29 =	simm.s32 $0x9;
	_ =	strace $0x80000048  }
0xb3: {  	_ =	swait.ge [sflag:s29], $0x1  }
0xb4: {  	[sflag:s29] =	ssyncadd.s32 $0xFFFFFFFF  }
0xb5: {  	_ =	strace $0x90000048  }
0xb6: {  	_ =	sfence  }
0xb7: {  	s30 =	sld [smem:$0x0];
	_ =	sdelay $0x2  }
0xb8: {  	s31 =	sshll.u32 s1, $0xD;
	s1 =	sshrl.u32 s1, $0x2  }
0xb9: {  	s3 =	sand.u32 $0x4000, s31;
	s1 =	sadd.s32 s1, s30  }
0xba: {  	s0 =	sor.u32 s3, s0;
	s1 =	sshll.u32 s1, $0x11  }
0xbb: {  	s0 =	sor.u32 s1, s0  }
0xbc: {  	s0 =	sadd.s32 $0x8F2B, s0  }
0xbd: {  	[sflag:s0] =	ssyncadd.remote.s32 $0x1  }
0xbe: {  	_ =	sfence.sel $0xFFFF  }
0xbf: {  	[dreg:$0x0] =	wrdreg $0xFFFFFFFF;
	(pc) =	sbr.abs _section_cstart, $3  }
0xc0: {  	[dreg:$0x1] =	wrdreg $0xFFFFFFFF  }
0xc1: {  	_ =	task.clear_ibuf [dreg:s7], $0x2FFFF;
	_ =	strace $0x9FFFFFFF  }
0xc2: {  	(tm) =	ssettm $0x7FFFFFFF  }
0xc3: {  	_ =	shalt  }
tec
execute0_lowered:
.L_overlay_start_1:
0x0: {  	(tag) =	ssettag $0x1  }
0x1: {  	s5 =	rddreg [dreg:$0x0]  }
0x2: {  	s4 =	rddreg [dreg:$0x1]  }
0x3: {  	s0 =	rddreg [dreg:$0x2];
	s1 =	simm.s32 $0x0  }
0x4: {  	s6 =	srdreg.scid;
	s2 =	stileid.u32;
	s7 =	simm.f32 $1.000000000e+00  }
0x5: {  	s15 =	simm.f32 $1.000000000e+00;
	s13 =	simm.s32 $0x1;
	s14 =	simm.s32 $0x2  }
0x6: {  	s17 =	simm.s32 $0x6000;
	s19 =	simm.s32 $0x3;
	s20 =	simm.s32 $0x0  }
0x7: {  	[smem:$0x7FF] =	sst s1;
	s3 =	sadd.s32 $0x800, s4;
	s8 =	sadd.s32 $0xA00, s4  }
0x8: {  	s6 =	sand.u32 $0x1, s6;
	p0 =	slt.u32 s2, $0xC;
	s10 =	sshll.u32 s2, $0xC  }
0x9: {  	s12 =	sadd.s32 $0x10A00, s4;
	_ =	strace $0x80000047;
	s7 =	simm.s32 @!p0 $0x0  }
0xa: {  	p0 =	slt.u32 s2, $0x8;
	s9 =	ssub.s32 $0x2, s6;
	s6 =	sshll.u32 s6, $0xB  }
0xb: {  	s15 =	simm.s32 @!p0 $0x0;
	s7 =	sadd.f32 s7, s7;
	s11 =	sshrl.u32 s9, $0x1  }
0xc: {  	s10 =	sor.u32 s6, s10;
	s16 =	ssub.f32 $1.000000000e+00, s15;
	s11 =	ssub.s32 s9, s11  }
0xd: {  	s31 =	sor.u32 $0x400, s10;
	s4 =	sadd.s32 s5, s10;
	s30 =	ssub.f32 $1.000000000e+00, s7  }
0xe: {  	s6 =	sadd.s32 s8, s10;
	v1 =	vmov s15;
	s15 =	simm.s32 $0x4000;
	s5 =	sadd.s32 s5, s31  }
0xf: {  	s7 =	sadd.s32 s12, s10;
	s8 =	sadd.s32 s8, s31;
	s18 =	smul.f32 s30, s16  }
0x10: {  	v3 =	vimm.f32 $-5.000000000e-01;
	s9 =	sadd.s32 s12, s31;
	s10 =	smax.u32 s11, $0x1;
	s11 =	simm.s32 $0xC000  }
0x11: {  	v4 =	vimm.f32 $-3.141592740e+00;
	s12 =	simm.s32 $0x2000;
	v0 =	vmov s16;
	s16 =	simm.s32 $0x8000;
	v2 =	vmov s18;
	s18 =	simm.s32 $0xA000  }
.LBB2_1:
0x12: {  	[tilespmem:s11], [sflag:$0x1] =	stream.linear.gather [hbm4b:s3+s1], $0x80, $0x38;
	[tilespmem:$0xC080] =	vst v63  }
0x13: {  	_ = 	snop  }
0x14: {  	[tilespmem:s1], [sflag:$0x2] =	stream.linear.gather [hbm4b:s4+s1], $0x2000, $0x38;
	[tilespmem:$0xC080] =	vst v63  }
0x15: {  	_ = 	snop  }
0x16: {  	[tilespmem:s12], [sflag:$0x2] =	stream.linear.gather [hbm4b:s5+s1], $0x2000, $0x38;
	[tilespmem:$0xC080] =	vst v63  }
0x17: {  	_ =	swait.ge [sflag:s13], $0x80  }
0x18: {  	[sflag:s13] =	ssyncset.done $0x0  }
0x19: {  	[sflag:s13] =	ssyncadd.s32 $0xFFFFFF80  }
0x1a: {  	v5 =	vld [tilespmem:$0xC000];
	_ =	sdelay $0x4  }
0x1b: {  	v5 =	vmul.f32 $5.000000000e-01, v5;
	_ =	sdelay $0x1  }
0x1c: {  	v6 =	vmul.f32 $1.591549370e-01, v5;
	_ =	sdelay $0x1  }
0x1d: {  	vm0 =	vge.f32 v6, $0.0e+00  }
0x1e: {  	v7 =	vsel vm0, $0x3F000000, v3  }
0x1f: {  	v6 =	vadd.f32 v7, v6;
	_ =	sdelay $0x1  }
0x20: {  	v6 =	vtrunc.f32 v6  }
0x21: {  	v6 =	vcvt.f32.s32 v6;
	_ =	sdelay $0x1  }
0x22: {  	v6 =	vcvt.s32.f32 v6;
	_ =	sdelay $0x1  }
0x23: {  	v7 =	vmul.f32 $-6.281250000e+00, v6;
	_ =	sdelay $0x1  }
0x24: {  	v6 =	vmul.f32 $-1.935307170e-03, v6;
	v5 =	vadd.f32 v7, v5;
	_ =	sdelay $0x1  }
0x25: {  	v5 =	vadd.f32 v6, v5;
	_ =	sdelay $0x1  }
0x26: {  	vm14 =	vge.f32 v5, $0.0e+00  }
0x27: {  	v6 =	vsel vm14, $0x40490FDB, v4  }
0x28: {  	v7 =	vand.u32 $0x7FFFFFFF, v5;
	v6 =	vsub.f32 v6, v5  }
0x29: {  	vm15 =	vgt.f32 v7, $1.570796370e+00  }
0x2a: {  	v5 =	vsel vm15, v6, v5  }
0x2b: {  	v6 =	vmul.f32 v5, v5;
	_ =	sdelay $0x1  }
0x2c: {  	v7 =	vmul.f32 $2.087675590e-09, v6;
	_ =	sdelay $0x1  }
0x2d: {  	v7 =	vadd.f32 $-2.755732000e-07, v7;
	_ =	sdelay $0x1  }
0x2e: {  	v7 =	vmul.f32 v7, v6  }
0x2f: {  	v8 =	vmul.f32 $-2.505210790e-08, v6  }
0x30: {  	v7 =	vadd.f32 $2.480158760e-05, v7  }
0x31: {  	v8 =	vadd.f32 $2.755731880e-06, v8  }
0x32: {  	v7 =	vmul.f32 v7, v6  }
0x33: {  	v8 =	vmul.f32 v8, v6  }
0x34: {  	v7 =	vadd.f32 $-1.388888920e-03, v7  }
0x35: {  	v8 =	vadd.f32 $-1.984127010e-04, v8  }
0x36: {  	v7 =	vmul.f32 v7, v6  }
0x37: {  	v8 =	vmul.f32 v8, v6  }
0x38: {  	v7 =	vadd.f32 $4.166666790e-02, v7  }
0x39: {  	v8 =	vadd.f32 $8.333333770e-03, v8  }
0x3a: {  	v7 =	vmul.f32 v7, v6  }
0x3b: {  	v8 =	vmul.f32 v8, v6  }
0x3c: {  	v7 =	vadd.f32 $-5.000000000e-01, v7  }
0x3d: {  	v8 =	vadd.f32 $-1.666666720e-01, v8  }
0x3e: {  	v7 =	vmul.f32 v7, v6  }
0x3f: {  	_ =	swait.ge [sflag:s14], $0x2000;
	v6 =	vmul.f32 v8, v6  }
0x40: {  	[sflag:s14] =	ssyncset.done $0x0;
	v7 =	vadd.f32 $1.000000000e+00, v7  }
0x41: {  	s21 =	simm.s32 $0x0;
	[sflag:s14] =	ssyncadd.s32 $0xFFFFE000;
	v6 =	vadd.f32 $1.000000000e+00, v6  }
0x42: {  	v9 =	vld [tilespmem:s21+$0x70];
	v8 =	vsub.f32 $0.0e+00, v7  }
0x43: {  	v12 =	vld [tilespmem:s21+$0x30];
	v5 =	vmul.f32 v6, v5  }
0x44: {  	v10 =	vld [tilespmem:s21+$0x0];
	v6 =	vsel vm15, v8, v7  }
0x45: {  	v8 =	vmul.f32 v6, v0;
	v6 =	vmul.f32 v5, v2  }
0x46: {  	v7 =	vld [tilespmem:s21+$0x10]  }
0x47: {  	v5 =	vadd.f32 v8, v1;
	v13 =	vmul.f32 v9, v6  }
0x48: {  	v11 =	vld [tilespmem:s21+$0x20];
	v17 =	vmul.f32 v12, v6  }
0x49: {  	v8 =	vld [tilespmem:s21+$0x40];
	v15 =	vmul.f32 v10, v5;
	[tilespmem:s21+$0x8070] =	vst v13  }
0x4a: {  	v14 =	vld [tilespmem:s21+$0x50];
	v10 =	vmul.f32 v10, v6;
	[tilespmem:s21+$0x8030] =	vst v17  }
0x4b: {  	v16 =	vld [tilespmem:s21+$0x60];
	v13 =	vmul.f32 v7, v5;
	[tilespmem:s21+$0x4000] =	vst v15  }
0x4c: {  	v15 =	vmul.f32 v7, v6;
	[tilespmem:s21+$0x8000] =	vst v10  }
0x4d: {  	v10 =	vmul.f32 v11, v5;
	[tilespmem:s21+$0x4010] =	vst v13;
	v7 =	vmul.f32 v9, v5  }
0x4e: {  	v9 =	vmul.f32 v11, v6;
	v13 =	vmul.f32 v8, v5;
	[tilespmem:s21+$0x8010] =	vst v15  }
0x4f: {  	v11 =	vmul.f32 v8, v6;
	v15 =	vmul.f32 v12, v5;
	[tilespmem:s21+$0x4020] =	vst v10  }
0x50: {  	v8 =	vmul.f32 v16, v6;
	[tilespmem:s21+$0x8020] =	vst v9;
	v12 =	vmul.f32 v14, v5  }
0x51: {  	s22 =	simm.s32 $0x80;
	s23 =	simm.s32 $0x400;
	v9 =	vmul.f32 v14, v6;
	v10 =	vmul.f32 v16, v5;
	[tilespmem:s21+$0x4030] =	vst v15  }
.LBB2_2:
0x52: {  	p0 =	sne.s32 s23, $0x7E00;
	v14 =	vld [tilespmem:s22+$0x70];
	[tilespmem:s21+$0x4040] =	vst v13  }
0x53: {  	v13 =	vld [tilespmem:s22+$0x0];
	[tilespmem:s21+$0x8040] =	vst v11  }
0x54: {  	v11 =	vld [tilespmem:s22+$0x10];
	[tilespmem:s21+$0x4050] =	vst v12  }
0x55: {  	v12 =	vld [tilespmem:s22+$0x20];
	[tilespmem:s21+$0x8050] =	vst v9  }
0x56: {  	v9 =	vld [tilespmem:s22+$0x30];
	[tilespmem:s21+$0x4060] =	vst v10  }
0x57: {  	v10 =	vld [tilespmem:s22+$0x40];
	v15 =	vmul.f32 v14, v5;
	v14 =	vmul.f32 v14, v6;
	[tilespmem:s21+$0x8060] =	vst v8  }
0x58: {  	v8 =	vmul.f32 v13, v5;
	v13 =	vmul.f32 v13, v6;
	v16 =	vld [tilespmem:s22+$0x50];
	[tilespmem:s21+$0x4070] =	vst v7;
	s21 =	smov.u32 s22  }
0x59: {  	v17 =	vmul.f32 v11, v5;
	v18 =	vmul.f32 v11, v6;
	v19 =	vld [tilespmem:s21+$0x60];
	[tilespmem:s21+$0x8070] =	vst v14;
	v7 =	vmov v15  }
0x5a: {  	[tilespmem:s21+$0x4000] =	vst v8;
	v8 =	vmul.f32 v12, v5;
	v14 =	vmul.f32 v12, v6  }
0x5b: {  	[tilespmem:s21+$0x8000] =	vst v13;
	v15 =	vmul.f32 v9, v5;
	v20 =	vmul.f32 v9, v6  }
0x5c: {  	[tilespmem:s21+$0x4010] =	vst v17;
	v13 =	vmul.f32 v10, v5;
	v11 =	vmul.f32 v10, v6  }
.Ltmp0:
0x5d: {  	[tilespmem:s21+$0x8010] =	vst v18;
	v12 =	vmul.f32 v16, v5;
	v9 =	vmul.f32 v16, v6;
	(pc) =	sbr.rel @p0 .LBB2_2-.Ltmp0, $4  }
0x5e: {  	[tilespmem:s21+$0x4020] =	vst v8;
	v10 =	vmul.f32 v19, v5;
	v8 =	vmul.f32 v19, v6  }
0x5f: {  	[tilespmem:s21+$0x8020] =	vst v14  }
0x60: {  	[tilespmem:s21+$0x4030] =	vst v15  }
0x61: {  	s22 =	sshra.s32 s23, $0x2;
	s23 =	sadd.s32 $0x200, s23;
	[tilespmem:s21+$0x8030] =	vst v20  }
0x62: {  	v14 =	vld [tilespmem:s22+$0x70];
	[tilespmem:s21+$0x4040] =	vst v13  }
0x63: {  	v13 =	vld [tilespmem:s22+$0x0];
	[tilespmem:s21+$0x8040] =	vst v11  }
0x64: {  	v11 =	vld [tilespmem:s22+$0x10];
	[tilespmem:s21+$0x4050] =	vst v12  }
0x65: {  	v12 =	vld [tilespmem:s22+$0x20];
	[tilespmem:s21+$0x8050] =	vst v9  }
0x66: {  	v9 =	vld [tilespmem:s22+$0x30];
	[tilespmem:s21+$0x4060] =	vst v10  }
0x67: {  	v10 =	vld [tilespmem:s22+$0x40];
	[tilespmem:s21+$0x8060] =	vst v8;
	v15 =	vmul.f32 v14, v6  }
0x68: {  	v8 =	vld [tilespmem:s22+$0x50];
	[tilespmem:s21+$0x4070] =	vst v7;
	v7 =	vmul.f32 v13, v5  }
0x69: {  	v13 =	vmul.f32 v13, v6;
	[tilespmem:s22+$0x8070] =	vst v15  }
0x6a: {  	v15 =	vmul.f32 v11, v5;
	[tilespmem:s22+$0x4000] =	vst v7  }
0x6b: {  	v7 =	vmul.f32 v11, v6;
	[tilespmem:s22+$0x8000] =	vst v13  }
0x6c: {  	v11 =	vmul.f32 v12, v5;
	[tilespmem:s22+$0x4010] =	vst v15  }
0x6d: {  	v12 =	vmul.f32 v12, v6;
	[tilespmem:s22+$0x8010] =	vst v7  }
0x6e: {  	v7 =	vmul.f32 v9, v5;
	[tilespmem:s22+$0x4020] =	vst v11  }
0x6f: {  	v16 =	vld [tilespmem:s22+$0x60];
	v9 =	vmul.f32 v9, v6;
	[tilespmem:s22+$0x8020] =	vst v12  }
0x70: {  	v11 =	vmul.f32 v10, v5;
	[tilespmem:s22+$0x4030] =	vst v7  }
0x71: {  	v7 =	vmul.f32 v10, v6;
	[tilespmem:s22+$0x8030] =	vst v9  }
0x72: {  	v9 =	vmul.f32 v8, v5;
	[tilespmem:s22+$0x4040] =	vst v11  }
0x73: {  	v8 =	vmul.f32 v8, v6;
	[tilespmem:s22+$0x8040] =	vst v7  }
0x74: {  	v7 =	vmul.f32 v16, v5;
	[tilespmem:s22+$0x4050] =	vst v9  }
0x75: {  	v9 =	vmul.f32 v16, v6;
	[tilespmem:s22+$0x8050] =	vst v8  }
0x76: {  	v8 =	vmul.f32 v14, v5;
	[tilespmem:s22+$0x4060] =	vst v7  }
0x77: {  	[tilespmem:s22+$0x8060] =	vst v9  }
0x78: {  	s31 =	simm.s32 $0x0;
	[tilespmem:s22+$0x4070] =	vst v8  }
0x79: {  	[hbm4b:s6+s31] =	stream.linear.scatter [tilespmem:s15], [sflag:$0x3], $0x2000, $0x38;
	[tilespmem:$0xC080] =	vst v63  }
0x7a: {  	_ = 	snop  }
0x7b: {  	[hbm4b:s7+s31] =	stream.linear.scatter [tilespmem:s16], [sflag:$0x3], $0x2000, $0x38;
	[tilespmem:$0xC080] =	vst v63  }
0x7c: {  	_ =	swait.ge [sflag:s14], $0x2000  }
0x7d: {  	[sflag:s14] =	ssyncset.done $0x0  }
0x7e: {  	s21 =	simm.s32 $0x0;
	[sflag:s14] =	ssyncadd.s32 $0xFFFFE000  }
0x7f: {  	v7 =	vld [tilespmem:s21+$0x2070]  }
0x80: {  	v8 =	vld [tilespmem:s21+$0x2000];
	_ =	sdelay $0x1  }
0x81: {  	v11 =	vld [tilespmem:s21+$0x2030]  }
0x82: {  	v9 =	vld [tilespmem:s21+$0x2010]  }
0x83: {  	v13 =	vmul.f32 v7, v6  }
0x84: {  	v10 =	vld [tilespmem:s21+$0x2020];
	v15 =	vmul.f32 v8, v5  }
0x85: {  	v8 =	vmul.f32 v8, v6;
	[tilespmem:s21+$0xA070] =	vst v13  }
0x86: {  	v12 =	vld [tilespmem:s21+$0x2040];
	v17 =	vmul.f32 v11, v6;
	[tilespmem:s21+$0x6000] =	vst v15  }
0x87: {  	v14 =	vld [tilespmem:s21+$0x2050];
	v13 =	vmul.f32 v9, v5;
	[tilespmem:s21+$0xA000] =	vst v8  }
0x88: {  	v63 =	vld [tilespmem:s21+$0x2060];
	v9 =	vmul.f32 v9, v6;
	[tilespmem:s21+$0xA030] =	vst v17  }
0x89: {  	v7 =	vmul.f32 v7, v5;
	v8 =	vmul.f32 v10, v5;
	[tilespmem:s21+$0x6010] =	vst v13  }
0x8a: {  	v10 =	vmul.f32 v10, v6;
	v15 =	vmul.f32 v11, v5;
	[tilespmem:s21+$0xA010] =	vst v9  }
0x8b: {  	v11 =	vmul.f32 v12, v6;
	[tilespmem:s21+$0x6020] =	vst v8;
	v13 =	vmul.f32 v12, v5  }
0x8c: {  	[tilespmem:s21+$0xA020] =	vst v10;
	v12 =	vmul.f32 v14, v5;
	v9 =	vmul.f32 v14, v6  }
0x8d: {  	s23 =	simm.s32 $0x400;
	s22 =	simm.s32 $0x80;
	[tilespmem:s21+$0x6030] =	vst v15;
	v10 =	vmul.f32 v63, v5;
	v8 =	vmul.f32 v63, v6  }
.LBB2_4:
0x8e: {  	p0 =	sne.s32 s23, $0x7E00;
	v14 =	vld [tilespmem:s22+$0x2070];
	[tilespmem:s21+$0x6040] =	vst v13  }
0x8f: {  	v13 =	vld [tilespmem:s22+$0x2000];
	[tilespmem:s21+$0xA040] =	vst v11  }
0x90: {  	v11 =	vld [tilespmem:s22+$0x2010];
	[tilespmem:s21+$0x6050] =	vst v12  }
0x91: {  	v12 =	vld [tilespmem:s22+$0x2020];
	[tilespmem:s21+$0xA050] =	vst v9  }
0x92: {  	v9 =	vld [tilespmem:s22+$0x2030];
	[tilespmem:s21+$0x6060] =	vst v10  }
0x93: {  	v10 =	vld [tilespmem:s22+$0x2040];
	v15 =	vmul.f32 v14, v5;
	v14 =	vmul.f32 v14, v6;
	[tilespmem:s21+$0xA060] =	vst v8  }
0x94: {  	v8 =	vmul.f32 v13, v5;
	v13 =	vmul.f32 v13, v6;
	v16 =	vld [tilespmem:s22+$0x2050];
	[tilespmem:s21+$0x6070] =	vst v7;
	s21 =	smov.u32 s22  }
0x95: {  	v17 =	vmul.f32 v11, v5;
	v18 =	vmul.f32 v11, v6;
	v19 =	vld [tilespmem:s21+$0x2060];
	[tilespmem:s21+$0xA070] =	vst v14;
	v7 =	vmov v15  }
0x96: {  	[tilespmem:s21+$0x6000] =	vst v8;
	v8 =	vmul.f32 v12, v5;
	v14 =	vmul.f32 v12, v6  }
0x97: {  	[tilespmem:s21+$0xA000] =	vst v13;
	v15 =	vmul.f32 v9, v5;
	v20 =	vmul.f32 v9, v6  }
0x98: {  	[tilespmem:s21+$0x6010] =	vst v17;
	v13 =	vmul.f32 v10, v5;
	v11 =	vmul.f32 v10, v6  }
.Ltmp1:
0x99: {  	[tilespmem:s21+$0xA010] =	vst v18;
	v12 =	vmul.f32 v16, v5;
	v9 =	vmul.f32 v16, v6;
	(pc) =	sbr.rel @p0 .LBB2_4-.Ltmp1, $4  }
0x9a: {  	[tilespmem:s21+$0x6020] =	vst v8;
	v10 =	vmul.f32 v19, v5;
	v8 =	vmul.f32 v19, v6  }
0x9b: {  	[tilespmem:s21+$0xA020] =	vst v14  }
0x9c: {  	[tilespmem:s21+$0x6030] =	vst v15  }
0x9d: {  	s22 =	sshra.s32 s23, $0x2;
	s23 =	sadd.s32 $0x200, s23;
	[tilespmem:s21+$0xA030] =	vst v20  }
0x9e: {  	v14 =	vld [tilespmem:s22+$0x2070];
	[tilespmem:s21+$0x6040] =	vst v13  }
0x9f: {  	v13 =	vld [tilespmem:s22+$0x2000];
	[tilespmem:s21+$0xA040] =	vst v11  }
0xa0: {  	v11 =	vld [tilespmem:s22+$0x2010];
	[tilespmem:s21+$0x6050] =	vst v12  }
0xa1: {  	v12 =	vld [tilespmem:s22+$0x2020];
	[tilespmem:s21+$0xA050] =	vst v9  }
0xa2: {  	v9 =	vld [tilespmem:s22+$0x2030];
	[tilespmem:s21+$0x6060] =	vst v10  }
0xa3: {  	v10 =	vld [tilespmem:s22+$0x2040];
	[tilespmem:s21+$0xA060] =	vst v8;
	v15 =	vmul.f32 v14, v6  }
0xa4: {  	v8 =	vld [tilespmem:s22+$0x2050];
	[tilespmem:s21+$0x6070] =	vst v7;
	v7 =	vmul.f32 v13, v5  }
0xa5: {  	v13 =	vmul.f32 v13, v6;
	[tilespmem:s22+$0xA070] =	vst v15  }
0xa6: {  	v60 =	vmul.f32 v11, v5;
	[tilespmem:s22+$0x6000] =	vst v7  }
0xa7: {  	v7 =	vmul.f32 v11, v6;
	[tilespmem:s22+$0xA000] =	vst v13  }
0xa8: {  	v61 =	vmul.f32 v12, v5;
	[tilespmem:s22+$0x6010] =	vst v60  }
0xa9: {  	v12 =	vmul.f32 v12, v6;
	[tilespmem:s22+$0xA010] =	vst v7  }
0xaa: {  	v7 =	vmul.f32 v9, v5;
	[tilespmem:s22+$0x6020] =	vst v61  }
0xab: {  	v16 =	vld [tilespmem:s22+$0x2060];
	v9 =	vmul.f32 v9, v6;
	[tilespmem:s22+$0xA020] =	vst v12  }
0xac: {  	v62 =	vmul.f32 v10, v5;
	[tilespmem:s22+$0x6030] =	vst v7  }
0xad: {  	v63 =	vmul.f32 v8, v5;
	[tilespmem:s22+$0xA030] =	vst v9  }
0xae: {  	v8 =	vmul.f32 v8, v6;
	[tilespmem:s22+$0x6040] =	vst v62  }
0xaf: {  	v7 =	vmul.f32 v10, v6;
	[tilespmem:s22+$0x6050] =	vst v63  }
0xb0: {  	v6 =	vmul.f32 v16, v6;
	[tilespmem:s22+$0xA050] =	vst v8  }
0xb1: {  	[tilespmem:s22+$0xA040] =	vst v7;
	v7 =	vmul.f32 v16, v5  }
0xb2: {  	v5 =	vmul.f32 v14, v5;
	[tilespmem:s22+$0xA060] =	vst v6  }
0xb3: {  	[tilespmem:s22+$0x6060] =	vst v7  }
0xb4: {  	[tilespmem:s22+$0x6070] =	vst v5  }
0xb5: {  	[hbm4b:s8+s1] =	stream.linear.scatter [tilespmem:s17], [sflag:$0x3], $0x2000, $0x38;
	[tilespmem:$0xC080] =	vst v63  }
0xb6: {  	_ = 	snop  }
0xb7: {  	[hbm4b:s9+s1] =	stream.linear.scatter [tilespmem:s18], [sflag:$0x3], $0x2000, $0x38;
	[tilespmem:$0xC080] =	vst v63  }
0xb8: {  	_ =	swait.ge [sflag:s19], $0x2000  }
0xb9: {  	[sflag:s19] =	ssyncset.done $0x0  }
0xba: {  	[sflag:s19] =	ssyncadd.s32 $0xFFFFE000  }
0xbb: {  	_ =	swait.ge [sflag:s19], $0x2000  }
0xbc: {  	[sflag:s19] =	ssyncset.done $0x0  }
0xbd: {  	s20 =	sadd.s32 $0x1, s20;
	[sflag:s19] =	ssyncadd.s32 $0xFFFFE000  }
0xbe: {  	p0 =	sne.s32 s20, s10;
	_ =	swait.ge [sflag:s19], $0x2000  }
.Ltmp2:
0xbf: {  	[sflag:s19] =	ssyncset.done $0x0;
	(pc) =	sbr.rel @p0 .LBB2_1-.Ltmp2, $4  }
0xc0: {  	[sflag:s19] =	ssyncadd.s32 $0xFFFFE000  }
0xc1: {  	_ =	swait.ge [sflag:s19], $0x2000  }
0xc2: {  	[sflag:s19] =	ssyncset.done $0x0  }
0xc3: {  	[sflag:s19] =	ssyncadd.s32 $0xFFFFE000  }
0xc4: {  	_ =	sfence.sel $0x180000  }
0xc5: {  	[bflag:$0x0] =	sbarrier.arrive $0xFFFF  }
0xc6: {  	p0 =	sne.s32 s2, $0x0;
	_ =	strace $0x90000047  }
0xc7: {  	s0 =	sadd.s32 @!p0 $0x100000, s0;
	[bflag:$0x2] =	sbarrier.arrive $0xFFFF  }
0xc8: {  	[sflag:s0] =	ssyncadd.tile.s32 @!p0 $0x1;
	_ =	shalt  }
.Lfunc_end2:
_tile_overlayer_lowered:
.L_overlay_start_2:
0xc9: {  	(tag) =	ssettag $0x2  }
0xca: {  	s0 =	rddreg [dreg:$0x0];
	s2 =	stileid.u32  }
0xcb: {  	s1 =	rddreg [dreg:$0x1];
	p0 =	sne.s32 s2, $0x0  }
0xcc: {  	s3 =	rddreg [dreg:$0x2];
	[bflag:$0x3] =	sbarrier.arrive $0xFFFF;
	s2 =	simm.s32 @!p0 $0x1C04  }
0xcd: {  	[timem:s3], [sflag:s2] =	dma.local @!p0 [hbm:s0], s1  }
0xce: {  	s0 =	simm.s32 @!p0 $0x4  }
0xcf: {  	_ =	swait.ge @!p0 [sflag:s0], s1  }
0xd0: {  	s1 =	ssub.s32 @!p0 $0x0, s1;
	[sflag:s0] =	ssyncset.done @!p0 $0x0  }
0xd1: {  	[sflag:s0] =	ssyncadd.s32 @!p0 s1  }
0xd2: {  	[bflag:$0x3] =	sbarrier.arrive $0xFFFF  }
0xd3: {  	_ =	shalt  }

</sc_bundles>
